<compile_context>
chip_gen: v7x
topology: tpu7x:2x2x1
jax: 0.10.2.dev20260603
libtpu: 0.0.44.dev20260713+nightly
codegen_flags: <defaults>
</compile_context>

<pallas_src>
import functools

import jax
import jax.numpy as jnp
from jax import lax
from jax.experimental import pallas as pl
from jax.experimental.pallas import tpu as pltpu
from jax.experimental.pallas import tpu_sc as plsc

N = 10000
D = 128
E = 320000
G = 128
NC, NS = 2, 16
NW = NC * NS
C = 128
EPT = 10112
NCHUNK = EPT // C
EP = EPT * NW
ACC_ROWS = 10240
ZCHUNKS = ACC_ROWS // NS // 16
RPT = ACC_ROWS // NS
COPC = 128
RB = 1000
NG = N // RB

_mesh = plsc.VectorSubcoreMesh(core_axis_name="c", subcore_axis_name="s")


@functools.partial(
    pl.kernel,
    out_type=jax.ShapeDtypeStruct((NC, ACC_ROWS, D), jnp.float32),
    mesh=_mesh,
    scratch_types=[
        pltpu.VMEM((C,), jnp.int32),
        pltpu.VMEM((C, D), jnp.float32),
        pltpu.VMEM((16, D), jnp.float32),
        pltpu.VMEM((COPC, D), jnp.float32),
        pltpu.VMEM_SHARED((ACC_ROWS, D), jnp.float32),
    ],
)
def _deg_sc(dst_hbm, out_hbm, didx, ones_v, zrow, obuf, acc):
    c = lax.axis_index("c")
    s = lax.axis_index("s")
    w = c * NS + s

    def _zf(i, _):
        r = i // 8
        q = (i % 8) * 16
        zrow[r, pl.ds(q, 16)] = jnp.zeros((16,), jnp.float32)
        return 0

    lax.fori_loop(0, 128, _zf, 0)

    def _of(i, _):
        r = i // 8
        q = (i % 8) * 16
        ones_v[r, pl.ds(q, 16)] = jnp.ones((16,), jnp.float32)
        return 0

    lax.fori_loop(0, C * 8, _of, 0)

    def _zacc(j, _):
        pltpu.sync_copy(zrow, acc.at[pl.ds(s * RPT + j * 16, 16)])
        return 0

    lax.fori_loop(0, ZCHUNKS, _zacc, 0)
    plsc.subcore_barrier()

    def _edges(k, _):
        off = pl.multiple_of(w * EPT + k * C, 8)
        pltpu.sync_copy(dst_hbm.at[pl.ds(off, C)], didx)
        pltpu.sync_copy(ones_v, acc.at[didx], add=True)
        return 0

    lax.fori_loop(0, NCHUNK, _edges, 0)
    plsc.subcore_barrier()

    def _co(j, _):
        r0 = s * RPT + j * COPC
        pltpu.sync_copy(acc.at[pl.ds(r0, COPC)], obuf)
        pltpu.sync_copy(obuf, out_hbm.at[c, pl.ds(r0, COPC)])
        return 0

    lax.fori_loop(0, RPT // COPC, _co, 0)


@functools.partial(
    pl.kernel,
    out_type=jax.ShapeDtypeStruct((NC, ACC_ROWS, D), jnp.float32),
    mesh=_mesh,
    scratch_types=[
        pltpu.VMEM((C,), jnp.int32),
        pltpu.VMEM((C,), jnp.int32),
        pltpu.VMEM((C, D), jnp.float32),
        pltpu.VMEM((16, D), jnp.float32),
        pltpu.VMEM((COPC, D), jnp.float32),
        pltpu.VMEM_SHARED((ACC_ROWS, D), jnp.float32),
        pltpu.SemaphoreType.DMA,
    ],
)
def _edge_sc(hs_hbm, src_hbm, dst_hbm, out_hbm,
             sidx, didx, rows, zrow, obuf, acc, sem):
    c = lax.axis_index("c")
    s = lax.axis_index("s")
    w = c * NS + s

    def _zf(i, _):
        r = i // 8
        q = (i % 8) * 16
        zrow[r, pl.ds(q, 16)] = jnp.zeros((16,), jnp.float32)
        return 0

    lax.fori_loop(0, 128, _zf, 0)

    def _zacc(j, _):
        pltpu.sync_copy(zrow, acc.at[pl.ds(s * RPT + j * 16, 16)])
        return 0

    lax.fori_loop(0, ZCHUNKS, _zacc, 0)
    plsc.subcore_barrier()

    def _edges(k, _):
        off = pl.multiple_of(w * EPT + k * C, 8)
        pltpu.sync_copy(src_hbm.at[pl.ds(off, C)], sidx)
        pltpu.sync_copy(dst_hbm.at[pl.ds(off, C)], didx)
        pltpu.async_copy(hs_hbm.at[sidx], rows, sem).wait()
        pltpu.sync_copy(rows, acc.at[didx], add=True)
        return 0

    lax.fori_loop(0, NCHUNK, _edges, 0)
    plsc.subcore_barrier()

    def _co(j, _):
        r0 = s * RPT + j * COPC
        pltpu.sync_copy(acc.at[pl.ds(r0, COPC)], obuf)
        pltpu.sync_copy(obuf, out_hbm.at[c, pl.ds(r0, COPC)])
        return 0

    lax.fori_loop(0, RPT // COPC, _co, 0)


def _tc1_body(x_ref, w_ref, degp_ref, hs_ref, dinv_ref):
    deg = degp_ref[0, :, 0:1] + degp_ref[1, :, 0:1] + 1.0
    dinv = lax.rsqrt(deg)
    h = jnp.dot(x_ref[...], w_ref[...], preferred_element_type=jnp.float32)
    hs_ref[...] = h * dinv
    dinv_ref[...] = dinv


def _tc1(x, W1, degp):
    return pl.pallas_call(
        _tc1_body,
        grid=(NG,),
        in_specs=[
            pl.BlockSpec((RB, D), lambda i: (i, 0)),
            pl.BlockSpec((D, D), lambda i: (0, 0)),
            pl.BlockSpec((NC, RB, D), lambda i: (0, i, 0)),
        ],
        out_specs=[
            pl.BlockSpec((RB, D), lambda i: (i, 0)),
            pl.BlockSpec((RB, 1), lambda i: (i, 0)),
        ],
        out_shape=[
            jax.ShapeDtypeStruct((N, D), jnp.float32),
            jax.ShapeDtypeStruct((N, 1), jnp.float32),
        ],
    )(x, W1, degp)


def _tcmid_body(p_ref, hs_ref, dinv_ref, b_ref, w_ref, out_ref):
    dinv = dinv_ref[...]
    pre = (p_ref[0] + p_ref[1] + hs_ref[...]) * dinv + b_ref[...]
    f = jnp.maximum(pre, 0.0)
    out_ref[...] = jnp.dot(f, w_ref[...], preferred_element_type=jnp.float32) * dinv


def _tcmid(p, hs, dinv, b, Wn):
    return pl.pallas_call(
        _tcmid_body,
        grid=(NG,),
        in_specs=[
            pl.BlockSpec((NC, RB, D), lambda i: (0, i, 0)),
            pl.BlockSpec((RB, D), lambda i: (i, 0)),
            pl.BlockSpec((RB, 1), lambda i: (i, 0)),
            pl.BlockSpec((1, D), lambda i: (0, 0)),
            pl.BlockSpec((D, D), lambda i: (0, 0)),
        ],
        out_specs=pl.BlockSpec((RB, D), lambda i: (i, 0)),
        out_shape=jax.ShapeDtypeStruct((N, D), jnp.float32),
    )(p, hs, dinv, b, Wn)


def _tcfin_body(p_ref, hs_ref, dinv_ref, b_ref, bat_ref, lw_ref, lb_ref,
                out_ref, sum_acc, cnt_acc):
    i = pl.program_id(0)

    @pl.when(i == 0)
    def _():
        sum_acc[...] = jnp.zeros_like(sum_acc)
        cnt_acc[...] = jnp.zeros_like(cnt_acc)

    h3 = (p_ref[0] + p_ref[1] + hs_ref[...]) * dinv_ref[...] + b_ref[...]
    gids = lax.broadcasted_iota(jnp.int32, (RB, G), 1)
    oh = (gids == bat_ref[...]).astype(jnp.float32)
    dn = (((0,), (0,)), ((), ()))
    sum_acc[...] += lax.dot_general(oh, h3, dn,
                                    preferred_element_type=jnp.float32)
    cnt_acc[...] += lax.dot_general(oh, jnp.ones((RB, 1), jnp.float32), dn,
                                    preferred_element_type=jnp.float32)

    @pl.when(i == NG - 1)
    def _():
        pooled = sum_acc[...] / jnp.maximum(cnt_acc[...], 1.0)
        out_ref[...] = jnp.dot(pooled, lw_ref[...],
                               preferred_element_type=jnp.float32) + lb_ref[...]


def _tcfin(p, hs, dinv, b, batcol, linWp, linbp):
    return pl.pallas_call(
        _tcfin_body,
        grid=(NG,),
        in_specs=[
            pl.BlockSpec((NC, RB, D), lambda i: (0, i, 0)),
            pl.BlockSpec((RB, D), lambda i: (i, 0)),
            pl.BlockSpec((RB, 1), lambda i: (i, 0)),
            pl.BlockSpec((1, D), lambda i: (0, 0)),
            pl.BlockSpec((RB, 1), lambda i: (i, 0)),
            pl.BlockSpec((D, D), lambda i: (0, 0)),
            pl.BlockSpec((1, D), lambda i: (0, 0)),
        ],
        out_specs=pl.BlockSpec((G, D), lambda i: (0, 0)),
        out_shape=jax.ShapeDtypeStruct((G, D), jnp.float32),
        scratch_shapes=[
            pltpu.VMEM((G, D), jnp.float32),
            pltpu.VMEM((G, 1), jnp.float32),
        ],
    )(p, hs, dinv, b, batcol, linWp, linbp)


def kernel(x, edge_index, batch, W1, b1, W2, b2, W3, b3, linW, linb):
    ei = edge_index.astype(jnp.int32)
    pad = EP - E
    src = jnp.concatenate([ei[0], jnp.zeros((pad,), jnp.int32)])
    dst = jnp.concatenate([ei[1], jnp.full((pad,), N, jnp.int32)])
    batcol = batch.astype(jnp.int32).reshape(N, 1)
    b1r = b1.reshape(1, D)
    b2r = b2.reshape(1, D)
    b3r = b3.reshape(1, D)
    linWp = jnp.pad(linW, ((0, 0), (0, D - linW.shape[1])))
    linbp = jnp.pad(linb, (0, D - linb.shape[0])).reshape(1, D)

    degp = _deg_sc(dst)
    hs1, dinv = _tc1(x, W1, degp)
    p1 = _edge_sc(hs1, src, dst)
    hs2 = _tcmid(p1, hs1, dinv, b1r, W2)
    p2 = _edge_sc(hs2, src, dst)
    hs3 = _tcmid(p2, hs2, dinv, b2r, W3)
    p3 = _edge_sc(hs3, src, dst)
    outp = _tcfin(p3, hs3, dinv, b3r, batcol, linWp, linbp)
    return outp[:, :linW.shape[1]]

# --- scband reference (transcript-rebuilt; emitter-appended) ---
"""Pipeline reference for scband-gcn-7060926234753 (READ-ONLY COPY).

The authoritative reference and input builder live on the scoring server;
editing this copy changes nothing except your own understanding.
"""

import jax, jax.numpy as jnp
import numpy as np

N_NODES = 10000
N_EDGES = 320000
D_FEAT = 128
HIDDEN = 128
N_CLASSES = 10
N_GRAPHS = 128


def setup_inputs(seed: int = 0) -> dict:
    key = jax.random.key(seed)
    ks = jax.random.split(key, 12)
    x = jax.random.normal(ks[0], (N_NODES, D_FEAT), dtype=jnp.float32)
    edge_index = jax.random.randint(ks[1], (2, N_EDGES), 0, N_NODES, dtype=jnp.int64)
    batch = jnp.sort(jax.random.randint(ks[2], (N_NODES,), 0, N_GRAPHS, dtype=jnp.int64))
    s1 = 1.0 / np.sqrt(D_FEAT)
    s2 = 1.0 / np.sqrt(HIDDEN)
    W1 = jax.random.uniform(ks[3], (D_FEAT, HIDDEN), jnp.float32, -s1, s1)
    b1 = jnp.zeros((HIDDEN,), jnp.float32)
    W2 = jax.random.uniform(ks[4], (HIDDEN, HIDDEN), jnp.float32, -s2, s2)
    b2 = jnp.zeros((HIDDEN,), jnp.float32)
    W3 = jax.random.uniform(ks[5], (HIDDEN, HIDDEN), jnp.float32, -s2, s2)
    b3 = jnp.zeros((HIDDEN,), jnp.float32)
    linW = jax.random.uniform(ks[6], (HIDDEN, N_CLASSES), jnp.float32, -s2, s2)
    linb = jax.random.uniform(ks[7], (N_CLASSES,), jnp.float32, -s2, s2)
    return {"x": x, "edge_index": edge_index, "batch": batch, "W1": W1, "b1": b1, "W2": W2, "b2": b2, "W3": W3, "b3": b3, "linW": linW, "linb": linb}


def gcn_conv(x, src, dst, norm, W, b):
    h = x @ W
    msg = h[src] * norm[:, None]
    out = jax.ops.segment_sum(msg, dst, num_segments=N_NODES)
    return out + b


def reference(x, edge_index, batch, W1, b1, W2, b2, W3, b3, linW, linb):
    # GCNConv with added self-loops and symmetric normalization
    loop = jnp.arange(N_NODES, dtype=edge_index.dtype)
    src = jnp.concatenate([edge_index[0], loop])
    dst = jnp.concatenate([edge_index[1], loop])
    deg = jnp.zeros((N_NODES,), jnp.float32).at[dst].add(1.0)
    dinv = jnp.where(deg > 0, deg ** -0.5, 0.0)
    norm = dinv[src] * dinv[dst]

    h = gcn_conv(x, src, dst, norm, W1, b1)
    h = jax.nn.relu(h)
    # dropout is identity in eval mode
    h = gcn_conv(h, src, dst, norm, W2, b2)
    h = jax.nn.relu(h)
    h = gcn_conv(h, src, dst, norm, W3, b3)

    # global_mean_pool over batch assignment
    sums = jax.ops.segment_sum(h, batch, num_segments=N_GRAPHS)
    counts = jax.ops.segment_sum(jnp.ones((N_NODES,), jnp.float32), batch, num_segments=N_GRAPHS)
    pooled = sums / jnp.maximum(counts, 1.0)[:, None]

    out = pooled @ linW + linb
    return out

if __name__ == "__main__":
    import jax
    _d = setup_inputs()
    print(jax.jit(kernel)(*tuple(_d.values())))

</pallas_src>

<mosaic_0001>
#map = affine_map<(d0, d1) -> (0)>
#map1 = affine_map<(d0, d1) -> (0, 0, 0)>
module attributes {stable_mosaic.version = 14 : i64} {
  func.func @_deg_sc(%arg0: i32, %arg1: i32, %arg2: memref<323584xi32, #tpu.memory_space<hbm>>, %arg3: memref<2x10240x128xf32, #tpu.memory_space<hbm>>, %arg4: memref<128xi32, #tpu.memory_space<vmem>>, %arg5: memref<128x128xf32, #tpu.memory_space<vmem>>, %arg6: memref<16x128xf32, #tpu.memory_space<vmem>>, %arg7: memref<128x128xf32, #tpu.memory_space<vmem>>, %arg8: memref<10240x128xf32, #tpu.memory_space<vmem_shared>>) attributes {dimension_semantics = [#tpu.dimension_semantics<core_parallel>, #tpu.dimension_semantics<subcore_parallel>], iteration_bounds = array<i64: 2, 16>, scalar_prefetch = 0 : i64, scratch_operands = 5 : i64, tpu.core_type = #tpu.core_type<sc_vector_subcore>, window_params = [{transform_indices = #map}, {transform_indices = #map1}]} {
    %mul3A = arith.constant 16 : i32
    %mul3A_0 = arith.muli %arg0, %mul3A : i32
    %add3A = arith.addi %mul3A_0, %arg1 : i32
    %scan3A = arith.constant 0 : i32
    %scan3A_1 = arith.constant 0 : i32
    %scan3A_2 = arith.constant 128 : i32
    %scan3A_3 = arith.addi %scan3A_1, %scan3A_2 : i32
    %scan3A_4 = arith.constant 1 : i32
    %scan3A_5 = scf.for %scan3A_36 = %scan3A_1 to %scan3A_3 step %scan3A_4 iter_args(%scan3A_37 = %scan3A) -> (i32)  : i32 {
      %jit3A = arith.constant 8 : i32
      %div3A = arith.divsi %scan3A_36, %jit3A : i32
      %sign3A = arith.constant 0 : i32
      %sign3A_38 = arith.cmpi sgt, %scan3A_36, %sign3A : i32
      %sign3A_39 = arith.extui %sign3A_38 : i1 to i32
      %sign3A_40 = arith.constant 0 : i32
      %sign3A_41 = arith.cmpi slt, %scan3A_36, %sign3A_40 : i32
      %sign3A_42 = arith.extui %sign3A_41 : i1 to i32
      %sign3A_43 = arith.subi %sign3A_39, %sign3A_42 : i32
      %sign3A_44 = arith.constant 0 : i32
      %sign3A_45 = arith.cmpi sgt, %jit3A, %sign3A_44 : i32
      %sign3A_46 = arith.extui %sign3A_45 : i1 to i32
      %sign3A_47 = arith.constant 0 : i32
      %sign3A_48 = arith.cmpi slt, %jit3A, %sign3A_47 : i32
      %sign3A_49 = arith.extui %sign3A_48 : i1 to i32
      %sign3A_50 = arith.subi %sign3A_46, %sign3A_49 : i32
      %ne3A = arith.cmpi ne, %sign3A_43, %sign3A_50 : i32
      %rem3A = arith.remsi %scan3A_36, %jit3A : i32
      %ne3A_51 = arith.constant 0 : i32
      %ne3A_52 = arith.cmpi ne, %rem3A, %ne3A_51 : i32
      %and3A = arith.andi %ne3A, %ne3A_52 : i1
      %sub3A = arith.constant 1 : i32
      %sub3A_53 = arith.subi %div3A, %sub3A : i32
      %select_n3A = arith.select %and3A, %sub3A_53, %div3A : i32
      %jit3A_54 = arith.constant 8 : i32
      %eq3A = arith.constant 0 : i32
      %eq3A_55 = arith.cmpi eq, %jit3A_54, %eq3A : i32
      %jit3A_56 = arith.constant 1 : i32
      %select_n3A_57 = arith.select %eq3A_55, %jit3A_56, %jit3A_54 : i32
      %rem3A_58 = arith.remsi %scan3A_36, %select_n3A_57 : i32
      %ne3A_59 = arith.constant 0 : i32
      %ne3A_60 = arith.cmpi ne, %rem3A_58, %ne3A_59 : i32
      %lt3A = arith.constant 0 : i32
      %lt3A_61 = arith.cmpi slt, %rem3A_58, %lt3A : i32
      %lt3A_62 = arith.constant 0 : i32
      %lt3A_63 = arith.cmpi slt, %select_n3A_57, %lt3A_62 : i32
      %ne3A_64 = arith.xori %lt3A_61, %lt3A_63 : i1
      %and3A_65 = arith.andi %ne3A_64, %ne3A_60 : i1
      %add3A_66 = arith.addi %rem3A_58, %select_n3A_57 : i32
      %select_n3A_67 = arith.select %and3A_65, %add3A_66, %rem3A_58 : i32
      %mul3A_68 = arith.constant 16 : i32
      %mul3A_69 = arith.muli %select_n3A_67, %mul3A_68 : i32
      %broadcast_in_dim3A = arith.constant 0.000000e+00 : f32
      %broadcast_in_dim3A_70 = vector.broadcast %broadcast_in_dim3A : f32 to vector<16xf32>
      %swap3A = arith.index_cast %select_n3A : i32 to index
      %swap3A_71 = arith.index_cast %mul3A_69 : i32 to index
      %swap3A_72 = tpu.vector_load %arg6[%swap3A, %swap3A_71] {strides = array<i32>} : memref<16x128xf32, #tpu.memory_space<vmem>>, vector<1x16xf32>,
      %swap3A_73 = vector.shape_cast %swap3A_72 : vector<1x16xf32> to vector<16xf32>
      %swap3A_74 = vector.shape_cast %broadcast_in_dim3A_70 : vector<16xf32> to vector<1x16xf32>
      tpu.vector_store %arg6[%swap3A, %swap3A_71], %swap3A_74 {strides = array<i32>} : memref<16x128xf32, #tpu.memory_space<vmem>>, vector<1x16xf32>,
      %scan3A_75 = arith.constant 0 : i32
      scf.yield %scan3A_75 : i32
    }
    %scan3A_6 = arith.constant 128 : i32
    %scan3A_7 = arith.constant 0 : i32
    %scan3A_8 = arith.constant 0 : i32
    %scan3A_9 = arith.constant 1024 : i32
    %scan3A_10 = arith.addi %scan3A_8, %scan3A_9 : i32
    %scan3A_11 = arith.constant 1 : i32
    %scan3A_12 = scf.for %scan3A_36 = %scan3A_8 to %scan3A_10 step %scan3A_11 iter_args(%scan3A_37 = %scan3A_7) -> (i32)  : i32 {
      %jit3A = arith.constant 8 : i32
      %div3A = arith.divsi %scan3A_36, %jit3A : i32
      %sign3A = arith.constant 0 : i32
      %sign3A_38 = arith.cmpi sgt, %scan3A_36, %sign3A : i32
      %sign3A_39 = arith.extui %sign3A_38 : i1 to i32
      %sign3A_40 = arith.constant 0 : i32
      %sign3A_41 = arith.cmpi slt, %scan3A_36, %sign3A_40 : i32
      %sign3A_42 = arith.extui %sign3A_41 : i1 to i32
      %sign3A_43 = arith.subi %sign3A_39, %sign3A_42 : i32
      %sign3A_44 = arith.constant 0 : i32
      %sign3A_45 = arith.cmpi sgt, %jit3A, %sign3A_44 : i32
      %sign3A_46 = arith.extui %sign3A_45 : i1 to i32
      %sign3A_47 = arith.constant 0 : i32
      %sign3A_48 = arith.cmpi slt, %jit3A, %sign3A_47 : i32
      %sign3A_49 = arith.extui %sign3A_48 : i1 to i32
      %sign3A_50 = arith.subi %sign3A_46, %sign3A_49 : i32
      %ne3A = arith.cmpi ne, %sign3A_43, %sign3A_50 : i32
      %rem3A = arith.remsi %scan3A_36, %jit3A : i32
      %ne3A_51 = arith.constant 0 : i32
      %ne3A_52 = arith.cmpi ne, %rem3A, %ne3A_51 : i32
      %and3A = arith.andi %ne3A, %ne3A_52 : i1
      %sub3A = arith.constant 1 : i32
      %sub3A_53 = arith.subi %div3A, %sub3A : i32
      %select_n3A = arith.select %and3A, %sub3A_53, %div3A : i32
      %jit3A_54 = arith.constant 8 : i32
      %eq3A = arith.constant 0 : i32
      %eq3A_55 = arith.cmpi eq, %jit3A_54, %eq3A : i32
      %jit3A_56 = arith.constant 1 : i32
      %select_n3A_57 = arith.select %eq3A_55, %jit3A_56, %jit3A_54 : i32
      %rem3A_58 = arith.remsi %scan3A_36, %select_n3A_57 : i32
      %ne3A_59 = arith.constant 0 : i32
      %ne3A_60 = arith.cmpi ne, %rem3A_58, %ne3A_59 : i32
      %lt3A = arith.constant 0 : i32
      %lt3A_61 = arith.cmpi slt, %rem3A_58, %lt3A : i32
      %lt3A_62 = arith.constant 0 : i32
      %lt3A_63 = arith.cmpi slt, %select_n3A_57, %lt3A_62 : i32
      %ne3A_64 = arith.xori %lt3A_61, %lt3A_63 : i1
      %and3A_65 = arith.andi %ne3A_64, %ne3A_60 : i1
      %add3A_66 = arith.addi %rem3A_58, %select_n3A_57 : i32
      %select_n3A_67 = arith.select %and3A_65, %add3A_66, %rem3A_58 : i32
      %mul3A_68 = arith.constant 16 : i32
      %mul3A_69 = arith.muli %select_n3A_67, %mul3A_68 : i32
      %broadcast_in_dim3A = arith.constant 1.000000e+00 : f32
      %broadcast_in_dim3A_70 = vector.broadcast %broadcast_in_dim3A : f32 to vector<16xf32>
      %swap3A = arith.index_cast %select_n3A : i32 to index
      %swap3A_71 = arith.index_cast %mul3A_69 : i32 to index
      %swap3A_72 = tpu.vector_load %arg5[%swap3A, %swap3A_71] {strides = array<i32>} : memref<128x128xf32, #tpu.memory_space<vmem>>, vector<1x16xf32>,
      %swap3A_73 = vector.shape_cast %swap3A_72 : vector<1x16xf32> to vector<16xf32>
      %swap3A_74 = vector.shape_cast %broadcast_in_dim3A_70 : vector<16xf32> to vector<1x16xf32>
      tpu.vector_store %arg5[%swap3A, %swap3A_71], %swap3A_74 {strides = array<i32>} : memref<128x128xf32, #tpu.memory_space<vmem>>, vector<1x16xf32>,
      %scan3A_75 = arith.constant 0 : i32
      scf.yield %scan3A_75 : i32
    }
    %scan3A_13 = arith.constant 1024 : i32
    %scan3A_14 = arith.constant 0 : i32
    %scan3A_15 = arith.constant 0 : i32
    %scan3A_16 = arith.constant 40 : i32
    %scan3A_17 = arith.addi %scan3A_15, %scan3A_16 : i32
    %scan3A_18 = arith.constant 1 : i32
    %scan3A_19 = scf.for %scan3A_36 = %scan3A_15 to %scan3A_17 step %scan3A_18 iter_args(%scan3A_37 = %scan3A_14) -> (i32)  : i32 {
      %mul3A_38 = arith.constant 640 : i32
      %mul3A_39 = arith.muli %arg1, %mul3A_38 : i32
      %mul3A_40 = arith.constant 16 : i32
      %mul3A_41 = arith.muli %scan3A_36, %mul3A_40 : i32
      %add3A_42 = arith.addi %mul3A_39, %mul3A_41 : i32
      "tpu.region"() ({
        %run_scoped3A = tpu.sem_alloc : memref<!tpu.dma_semaphore, #tpu.memory_space<semaphore_mem>>
        %dma_start3A = arith.constant 0 : i32
        %dma_start3A_44 = tpu.memref_slice %arg8[%add3A_42, %dma_start3A] : memref<10240x128xf32, #tpu.memory_space<vmem_shared>> -> memref<16x128xf32, #tpu.memory_space<vmem_shared>>
        %dma_start3A_45 = arith.constant 0 : i32
        %dma_start3A_46 = tpu.memref_slice %arg8[%add3A_42, %dma_start3A_45] : memref<10240x128xf32, #tpu.memory_space<vmem_shared>> -> memref<16x128xf32, #tpu.memory_space<vmem_shared>>
        tpu.enqueue_dma source(%arg6 : memref<16x128xf32, #tpu.memory_space<vmem>>) target(%dma_start3A_46 : memref<16x128xf32, #tpu.memory_space<vmem_shared>>) target_semaphore(%run_scoped3A : memref<!tpu.dma_semaphore, #tpu.memory_space<semaphore_mem>>)
        %dma_wait3A = arith.constant 0 : i32
        %dma_wait3A_47 = tpu.memref_slice %arg8[%add3A_42, %dma_wait3A] : memref<10240x128xf32, #tpu.memory_space<vmem_shared>> -> memref<16x128xf32, #tpu.memory_space<vmem_shared>>
        %dma_wait3A_48 = arith.constant 0 : i32
        %dma_wait3A_49 = tpu.memref_slice %arg8[%add3A_42, %dma_wait3A_48] : memref<10240x128xf32, #tpu.memory_space<vmem_shared>> -> memref<16x128xf32, #tpu.memory_space<vmem_shared>>
        tpu.wait_dma2 semaphore(%run_scoped3A : memref<!tpu.dma_semaphore, #tpu.memory_space<semaphore_mem>>) src(%arg6 : memref<16x128xf32, #tpu.memory_space<vmem>>) dst(%dma_wait3A_49 : memref<16x128xf32, #tpu.memory_space<vmem_shared>>)
        tpu.yield
      }) : () -> ()
      %scan3A_43 = arith.constant 0 : i32
      scf.yield %scan3A_43 : i32
    }
    %scan3A_20 = arith.constant 40 : i32
    %barrier3A = arith.constant 0 : index
    tpu.barrier barrier_id(%barrier3A)
    %scan3A_21 = arith.constant 0 : i32
    %scan3A_22 = arith.constant 0 : i32
    %scan3A_23 = arith.constant 79 : i32
    %scan3A_24 = arith.addi %scan3A_22, %scan3A_23 : i32
    %scan3A_25 = arith.constant 1 : i32
    %scan3A_26 = scf.for %scan3A_36 = %scan3A_22 to %scan3A_24 step %scan3A_25 iter_args(%scan3A_37 = %scan3A_21) -> (i32)  : i32 {
      %mul3A_38 = arith.constant 10112 : i32
      %mul3A_39 = arith.muli %add3A, %mul3A_38 : i32
      %mul3A_40 = arith.constant 128 : i32
      %mul3A_41 = arith.muli %scan3A_36, %mul3A_40 : i32
      %add3A_42 = arith.addi %mul3A_39, %mul3A_41 : i32
      %multiple_of3A = tpu.assume_multiple %add3A_42, 8 : i32
      "tpu.region"() ({
        %run_scoped3A = tpu.sem_alloc : memref<!tpu.dma_semaphore, #tpu.memory_space<semaphore_mem>>
        %dma_start3A = tpu.memref_slice %arg2[%multiple_of3A] : memref<323584xi32, #tpu.memory_space<hbm>> -> memref<128xi32, #tpu.memory_space<hbm>>
        %dma_start3A_44 = tpu.memref_slice %arg2[%multiple_of3A] : memref<323584xi32, #tpu.memory_space<hbm>> -> memref<128xi32, #tpu.memory_space<hbm>>
        tpu.enqueue_dma source(%dma_start3A_44 : memref<128xi32, #tpu.memory_space<hbm>>) target(%arg4 : memref<128xi32, #tpu.memory_space<vmem>>) target_semaphore(%run_scoped3A : memref<!tpu.dma_semaphore, #tpu.memory_space<semaphore_mem>>)
        %dma_wait3A = tpu.memref_slice %arg2[%multiple_of3A] : memref<323584xi32, #tpu.memory_space<hbm>> -> memref<128xi32, #tpu.memory_space<hbm>>
        %dma_wait3A_45 = tpu.memref_slice %arg2[%multiple_of3A] : memref<323584xi32, #tpu.memory_space<hbm>> -> memref<128xi32, #tpu.memory_space<hbm>>
        tpu.wait_dma2 semaphore(%run_scoped3A : memref<!tpu.dma_semaphore, #tpu.memory_space<semaphore_mem>>) src(%dma_wait3A_45 : memref<128xi32, #tpu.memory_space<hbm>>) dst(%arg4 : memref<128xi32, #tpu.memory_space<vmem>>)
        tpu.yield
      }) : () -> ()
      "tpu.region"() ({
        %run_scoped3A = tpu.sem_alloc : memref<!tpu.dma_semaphore, #tpu.memory_space<semaphore_mem>>
        %dma_start3A = arith.constant 0 : i32
        %dma_start3A_44 = arith.constant 0 : i32
        %dma_start3A_45 = tpu.memref_slice %arg8[%dma_start3A, %dma_start3A_44] : memref<10240x128xf32, #tpu.memory_space<vmem_shared>> -> memref<10240x128xf32, #tpu.memory_space<vmem_shared>>
        tpu.enqueue_indirect_dma source(%arg5 : memref<128x128xf32, #tpu.memory_space<vmem>>) target(%dma_start3A_45 : memref<10240x128xf32, #tpu.memory_space<vmem_shared>>) offsets(%arg4 : memref<128xi32, #tpu.memory_space<vmem>>) semaphore(%run_scoped3A : memref<!tpu.dma_semaphore, #tpu.memory_space<semaphore_mem>>) {add = true}
        %dma_wait3A = arith.constant 0 : i32
        %dma_wait3A_46 = arith.constant 0 : i32
        %dma_wait3A_47 = tpu.memref_slice %arg8[%dma_wait3A, %dma_wait3A_46] : memref<10240x128xf32, #tpu.memory_space<vmem_shared>> -> memref<10240x128xf32, #tpu.memory_space<vmem_shared>>
        tpu.wait_indirect_dma semaphore(%run_scoped3A : memref<!tpu.dma_semaphore, #tpu.memory_space<semaphore_mem>>) src(%arg5 : memref<128x128xf32, #tpu.memory_space<vmem>>) dst(%dma_wait3A_47 : memref<10240x128xf32, #tpu.memory_space<vmem_shared>>)
        tpu.yield
      }) : () -> ()
      %scan3A_43 = arith.constant 0 : i32
      scf.yield %scan3A_43 : i32
    }
    %scan3A_27 = arith.constant 79 : i32
    %barrier3A_28 = arith.constant 0 : index
    tpu.barrier barrier_id(%barrier3A_28)
    %scan3A_29 = arith.constant 0 : i32
    %scan3A_30 = arith.constant 0 : i32
    %scan3A_31 = arith.constant 5 : i32
    %scan3A_32 = arith.addi %scan3A_30, %scan3A_31 : i32
    %scan3A_33 = arith.constant 1 : i32
    %scan3A_34 = scf.for %scan3A_36 = %scan3A_30 to %scan3A_32 step %scan3A_33 iter_args(%scan3A_37 = %scan3A_29) -> (i32)  : i32 {
      %mul3A_38 = arith.constant 640 : i32
      %mul3A_39 = arith.muli %arg1, %mul3A_38 : i32
      %mul3A_40 = arith.constant 128 : i32
      %mul3A_41 = arith.muli %scan3A_36, %mul3A_40 : i32
      %add3A_42 = arith.addi %mul3A_39, %mul3A_41 : i32
      "tpu.region"() ({
        %run_scoped3A = tpu.sem_alloc : memref<!tpu.dma_semaphore, #tpu.memory_space<semaphore_mem>>
        %dma_start3A = arith.constant 0 : i32
        %dma_start3A_44 = tpu.memref_slice %arg8[%add3A_42, %dma_start3A] : memref<10240x128xf32, #tpu.memory_space<vmem_shared>> -> memref<128x128xf32, #tpu.memory_space<vmem_shared>>
        %dma_start3A_45 = arith.constant 0 : i32
        %dma_start3A_46 = tpu.memref_slice %arg8[%add3A_42, %dma_start3A_45] : memref<10240x128xf32, #tpu.memory_space<vmem_shared>> -> memref<128x128xf32, #tpu.memory_space<vmem_shared>>
        tpu.enqueue_dma source(%dma_start3A_46 : memref<128x128xf32, #tpu.memory_space<vmem_shared>>) target(%arg7 : memref<128x128xf32, #tpu.memory_space<vmem>>) target_semaphore(%run_scoped3A : memref<!tpu.dma_semaphore, #tpu.memory_space<semaphore_mem>>)
        %dma_wait3A = arith.constant 0 : i32
        %dma_wait3A_47 = tpu.memref_slice %arg8[%add3A_42, %dma_wait3A] : memref<10240x128xf32, #tpu.memory_space<vmem_shared>> -> memref<128x128xf32, #tpu.memory_space<vmem_shared>>
        %dma_wait3A_48 = arith.constant 0 : i32
        %dma_wait3A_49 = tpu.memref_slice %arg8[%add3A_42, %dma_wait3A_48] : memref<10240x128xf32, #tpu.memory_space<vmem_shared>> -> memref<128x128xf32, #tpu.memory_space<vmem_shared>>
        tpu.wait_dma2 semaphore(%run_scoped3A : memref<!tpu.dma_semaphore, #tpu.memory_space<semaphore_mem>>) src(%dma_wait3A_49 : memref<128x128xf32, #tpu.memory_space<vmem_shared>>) dst(%arg7 : memref<128x128xf32, #tpu.memory_space<vmem>>)
        tpu.yield
      }) : () -> ()
      "tpu.region"() ({
        %run_scoped3A = tpu.sem_alloc : memref<!tpu.dma_semaphore, #tpu.memory_space<semaphore_mem>>
        %dma_start3A = arith.constant 0 : i32
        %dma_start3A_44 = tpu.memref_slice %arg3[%arg0, %add3A_42, %dma_start3A] : memref<2x10240x128xf32, #tpu.memory_space<hbm>> -> memref<1x128x128xf32, #tpu.memory_space<hbm>>
        %dma_start3A_45 = tpu.memref_squeeze %dma_start3A_44 : memref<1x128x128xf32, #tpu.memory_space<hbm>> -> memref<128x128xf32, #tpu.memory_space<hbm>>
        %dma_start3A_46 = arith.constant 0 : i32
        %dma_start3A_47 = tpu.memref_slice %arg3[%arg0, %add3A_42, %dma_start3A_46] : memref<2x10240x128xf32, #tpu.memory_space<hbm>> -> memref<1x128x128xf32, #tpu.memory_space<hbm>>
        %dma_start3A_48 = tpu.memref_squeeze %dma_start3A_47 : memref<1x128x128xf32, #tpu.memory_space<hbm>> -> memref<128x128xf32, #tpu.memory_space<hbm>>
        tpu.enqueue_dma source(%arg7 : memref<128x128xf32, #tpu.memory_space<vmem>>) target(%dma_start3A_48 : memref<128x128xf32, #tpu.memory_space<hbm>>) target_semaphore(%run_scoped3A : memref<!tpu.dma_semaphore, #tpu.memory_space<semaphore_mem>>)
        %dma_wait3A = arith.constant 0 : i32
        %dma_wait3A_49 = tpu.memref_slice %arg3[%arg0, %add3A_42, %dma_wait3A] : memref<2x10240x128xf32, #tpu.memory_space<hbm>> -> memref<1x128x128xf32, #tpu.memory_space<hbm>>
        %dma_wait3A_50 = tpu.memref_squeeze %dma_wait3A_49 : memref<1x128x128xf32, #tpu.memory_space<hbm>> -> memref<128x128xf32, #tpu.memory_space<hbm>>
        %dma_wait3A_51 = arith.constant 0 : i32
        %dma_wait3A_52 = tpu.memref_slice %arg3[%arg0, %add3A_42, %dma_wait3A_51] : memref<2x10240x128xf32, #tpu.memory_space<hbm>> -> memref<1x128x128xf32, #tpu.memory_space<hbm>>
        %dma_wait3A_53 = tpu.memref_squeeze %dma_wait3A_52 : memref<1x128x128xf32, #tpu.memory_space<hbm>> -> memref<128x128xf32, #tpu.memory_space<hbm>>
        tpu.wait_dma2 semaphore(%run_scoped3A : memref<!tpu.dma_semaphore, #tpu.memory_space<semaphore_mem>>) src(%arg7 : memref<128x128xf32, #tpu.memory_space<vmem>>) dst(%dma_wait3A_53 : memref<128x128xf32, #tpu.memory_space<hbm>>)
        tpu.yield
      }) : () -> ()
      %scan3A_43 = arith.constant 0 : i32
      scf.yield %scan3A_43 : i32
    }
    %scan3A_35 = arith.constant 5 : i32
    return
  }
}

#map = affine_map<(d0, d1) -> (0, 0)>
#map1 = affine_map<(d0, d1) -> (0)>
#map2 = affine_map<(d0, d1) -> (0, 0, 0)>
module attributes {stable_mosaic.version = 14 : i64} {
  func.func @_edge_sc(%arg0: i32, %arg1: i32, %arg2: memref<10000x128xf32, #tpu.memory_space<hbm>>, %arg3: memref<323584xi32, #tpu.memory_space<hbm>>, %arg4: memref<323584xi32, #tpu.memory_space<hbm>>, %arg5: memref<2x10240x128xf32, #tpu.memory_space<hbm>>, %arg6: memref<128xi32, #tpu.memory_space<vmem>>, %arg7: memref<128xi32, #tpu.memory_space<vmem>>, %arg8: memref<128x128xf32, #tpu.memory_space<vmem>>, %arg9: memref<16x128xf32, #tpu.memory_space<vmem>>, %arg10: memref<128x128xf32, #tpu.memory_space<vmem>>, %arg11: memref<10240x128xf32, #tpu.memory_space<vmem_shared>>, %arg12: memref<!tpu.dma_semaphore, #tpu.memory_space<semaphore_mem>>) attributes {dimension_semantics = [#tpu.dimension_semantics<core_parallel>, #tpu.dimension_semantics<subcore_parallel>], iteration_bounds = array<i64: 2, 16>, scalar_prefetch = 0 : i64, scratch_operands = 7 : i64, tpu.core_type = #tpu.core_type<sc_vector_subcore>, window_params = [{transform_indices = #map}, {transform_indices = #map1}, {transform_indices = #map1}, {transform_indices = #map2}]} {
    %mul3A = arith.constant 16 : i32
    %mul3A_0 = arith.muli %arg0, %mul3A : i32
    %add3A = arith.addi %mul3A_0, %arg1 : i32
    %scan3A = arith.constant 0 : i32
    %scan3A_1 = arith.constant 0 : i32
    %scan3A_2 = arith.constant 128 : i32
    %scan3A_3 = arith.addi %scan3A_1, %scan3A_2 : i32
    %scan3A_4 = arith.constant 1 : i32
    %scan3A_5 = scf.for %scan3A_29 = %scan3A_1 to %scan3A_3 step %scan3A_4 iter_args(%scan3A_30 = %scan3A) -> (i32)  : i32 {
      %jit3A = arith.constant 8 : i32
      %div3A = arith.divsi %scan3A_29, %jit3A : i32
      %sign3A = arith.constant 0 : i32
      %sign3A_31 = arith.cmpi sgt, %scan3A_29, %sign3A : i32
      %sign3A_32 = arith.extui %sign3A_31 : i1 to i32
      %sign3A_33 = arith.constant 0 : i32
      %sign3A_34 = arith.cmpi slt, %scan3A_29, %sign3A_33 : i32
      %sign3A_35 = arith.extui %sign3A_34 : i1 to i32
      %sign3A_36 = arith.subi %sign3A_32, %sign3A_35 : i32
      %sign3A_37 = arith.constant 0 : i32
      %sign3A_38 = arith.cmpi sgt, %jit3A, %sign3A_37 : i32
      %sign3A_39 = arith.extui %sign3A_38 : i1 to i32
      %sign3A_40 = arith.constant 0 : i32
      %sign3A_41 = arith.cmpi slt, %jit3A, %sign3A_40 : i32
      %sign3A_42 = arith.extui %sign3A_41 : i1 to i32
      %sign3A_43 = arith.subi %sign3A_39, %sign3A_42 : i32
      %ne3A = arith.cmpi ne, %sign3A_36, %sign3A_43 : i32
      %rem3A = arith.remsi %scan3A_29, %jit3A : i32
      %ne3A_44 = arith.constant 0 : i32
      %ne3A_45 = arith.cmpi ne, %rem3A, %ne3A_44 : i32
      %and3A = arith.andi %ne3A, %ne3A_45 : i1
      %sub3A = arith.constant 1 : i32
      %sub3A_46 = arith.subi %div3A, %sub3A : i32
      %select_n3A = arith.select %and3A, %sub3A_46, %div3A : i32
      %jit3A_47 = arith.constant 8 : i32
      %eq3A = arith.constant 0 : i32
      %eq3A_48 = arith.cmpi eq, %jit3A_47, %eq3A : i32
      %jit3A_49 = arith.constant 1 : i32
      %select_n3A_50 = arith.select %eq3A_48, %jit3A_49, %jit3A_47 : i32
      %rem3A_51 = arith.remsi %scan3A_29, %select_n3A_50 : i32
      %ne3A_52 = arith.constant 0 : i32
      %ne3A_53 = arith.cmpi ne, %rem3A_51, %ne3A_52 : i32
      %lt3A = arith.constant 0 : i32
      %lt3A_54 = arith.cmpi slt, %rem3A_51, %lt3A : i32
      %lt3A_55 = arith.constant 0 : i32
      %lt3A_56 = arith.cmpi slt, %select_n3A_50, %lt3A_55 : i32
      %ne3A_57 = arith.xori %lt3A_54, %lt3A_56 : i1
      %and3A_58 = arith.andi %ne3A_57, %ne3A_53 : i1
      %add3A_59 = arith.addi %rem3A_51, %select_n3A_50 : i32
      %select_n3A_60 = arith.select %and3A_58, %add3A_59, %rem3A_51 : i32
      %mul3A_61 = arith.constant 16 : i32
      %mul3A_62 = arith.muli %select_n3A_60, %mul3A_61 : i32
      %broadcast_in_dim3A = arith.constant 0.000000e+00 : f32
      %broadcast_in_dim3A_63 = vector.broadcast %broadcast_in_dim3A : f32 to vector<16xf32>
      %swap3A = arith.index_cast %select_n3A : i32 to index
      %swap3A_64 = arith.index_cast %mul3A_62 : i32 to index
      %swap3A_65 = tpu.vector_load %arg9[%swap3A, %swap3A_64] {strides = array<i32>} : memref<16x128xf32, #tpu.memory_space<vmem>>, vector<1x16xf32>,
      %swap3A_66 = vector.shape_cast %swap3A_65 : vector<1x16xf32> to vector<16xf32>
      %swap3A_67 = vector.shape_cast %broadcast_in_dim3A_63 : vector<16xf32> to vector<1x16xf32>
      tpu.vector_store %arg9[%swap3A, %swap3A_64], %swap3A_67 {strides = array<i32>} : memref<16x128xf32, #tpu.memory_space<vmem>>, vector<1x16xf32>,
      %scan3A_68 = arith.constant 0 : i32
      scf.yield %scan3A_68 : i32
    }
    %scan3A_6 = arith.constant 128 : i32
    %scan3A_7 = arith.constant 0 : i32
    %scan3A_8 = arith.constant 0 : i32
    %scan3A_9 = arith.constant 40 : i32
    %scan3A_10 = arith.addi %scan3A_8, %scan3A_9 : i32
    %scan3A_11 = arith.constant 1 : i32
    %scan3A_12 = scf.for %scan3A_29 = %scan3A_8 to %scan3A_10 step %scan3A_11 iter_args(%scan3A_30 = %scan3A_7) -> (i32)  : i32 {
      %mul3A_31 = arith.constant 640 : i32
      %mul3A_32 = arith.muli %arg1, %mul3A_31 : i32
      %mul3A_33 = arith.constant 16 : i32
      %mul3A_34 = arith.muli %scan3A_29, %mul3A_33 : i32
      %add3A_35 = arith.addi %mul3A_32, %mul3A_34 : i32
      "tpu.region"() ({
        %run_scoped3A = tpu.sem_alloc : memref<!tpu.dma_semaphore, #tpu.memory_space<semaphore_mem>>
        %dma_start3A = arith.constant 0 : i32
        %dma_start3A_37 = tpu.memref_slice %arg11[%add3A_35, %dma_start3A] : memref<10240x128xf32, #tpu.memory_space<vmem_shared>> -> memref<16x128xf32, #tpu.memory_space<vmem_shared>>
        %dma_start3A_38 = arith.constant 0 : i32
        %dma_start3A_39 = tpu.memref_slice %arg11[%add3A_35, %dma_start3A_38] : memref<10240x128xf32, #tpu.memory_space<vmem_shared>> -> memref<16x128xf32, #tpu.memory_space<vmem_shared>>
        tpu.enqueue_dma source(%arg9 : memref<16x128xf32, #tpu.memory_space<vmem>>) target(%dma_start3A_39 : memref<16x128xf32, #tpu.memory_space<vmem_shared>>) target_semaphore(%run_scoped3A : memref<!tpu.dma_semaphore, #tpu.memory_space<semaphore_mem>>)
        %dma_wait3A = arith.constant 0 : i32
        %dma_wait3A_40 = tpu.memref_slice %arg11[%add3A_35, %dma_wait3A] : memref<10240x128xf32, #tpu.memory_space<vmem_shared>> -> memref<16x128xf32, #tpu.memory_space<vmem_shared>>
        %dma_wait3A_41 = arith.constant 0 : i32
        %dma_wait3A_42 = tpu.memref_slice %arg11[%add3A_35, %dma_wait3A_41] : memref<10240x128xf32, #tpu.memory_space<vmem_shared>> -> memref<16x128xf32, #tpu.memory_space<vmem_shared>>
        tpu.wait_dma2 semaphore(%run_scoped3A : memref<!tpu.dma_semaphore, #tpu.memory_space<semaphore_mem>>) src(%arg9 : memref<16x128xf32, #tpu.memory_space<vmem>>) dst(%dma_wait3A_42 : memref<16x128xf32, #tpu.memory_space<vmem_shared>>)
        tpu.yield
      }) : () -> ()
      %scan3A_36 = arith.constant 0 : i32
      scf.yield %scan3A_36 : i32
    }
    %scan3A_13 = arith.constant 40 : i32
    %barrier3A = arith.constant 0 : index
    tpu.barrier barrier_id(%barrier3A)
    %scan3A_14 = arith.constant 0 : i32
    %scan3A_15 = arith.constant 0 : i32
    %scan3A_16 = arith.constant 79 : i32
    %scan3A_17 = arith.addi %scan3A_15, %scan3A_16 : i32
    %scan3A_18 = arith.constant 1 : i32
    %scan3A_19 = scf.for %scan3A_29 = %scan3A_15 to %scan3A_17 step %scan3A_18 iter_args(%scan3A_30 = %scan3A_14) -> (i32)  : i32 {
      %mul3A_31 = arith.constant 10112 : i32
      %mul3A_32 = arith.muli %add3A, %mul3A_31 : i32
      %mul3A_33 = arith.constant 128 : i32
      %mul3A_34 = arith.muli %scan3A_29, %mul3A_33 : i32
      %add3A_35 = arith.addi %mul3A_32, %mul3A_34 : i32
      %multiple_of3A = tpu.assume_multiple %add3A_35, 8 : i32
      "tpu.region"() ({
        %run_scoped3A = tpu.sem_alloc : memref<!tpu.dma_semaphore, #tpu.memory_space<semaphore_mem>>
        %dma_start3A_41 = tpu.memref_slice %arg3[%multiple_of3A] : memref<323584xi32, #tpu.memory_space<hbm>> -> memref<128xi32, #tpu.memory_space<hbm>>
        %dma_start3A_42 = tpu.memref_slice %arg3[%multiple_of3A] : memref<323584xi32, #tpu.memory_space<hbm>> -> memref<128xi32, #tpu.memory_space<hbm>>
        tpu.enqueue_dma source(%dma_start3A_42 : memref<128xi32, #tpu.memory_space<hbm>>) target(%arg6 : memref<128xi32, #tpu.memory_space<vmem>>) target_semaphore(%run_scoped3A : memref<!tpu.dma_semaphore, #tpu.memory_space<semaphore_mem>>)
        %dma_wait3A_43 = tpu.memref_slice %arg3[%multiple_of3A] : memref<323584xi32, #tpu.memory_space<hbm>> -> memref<128xi32, #tpu.memory_space<hbm>>
        %dma_wait3A_44 = tpu.memref_slice %arg3[%multiple_of3A] : memref<323584xi32, #tpu.memory_space<hbm>> -> memref<128xi32, #tpu.memory_space<hbm>>
        tpu.wait_dma2 semaphore(%run_scoped3A : memref<!tpu.dma_semaphore, #tpu.memory_space<semaphore_mem>>) src(%dma_wait3A_44 : memref<128xi32, #tpu.memory_space<hbm>>) dst(%arg6 : memref<128xi32, #tpu.memory_space<vmem>>)
        tpu.yield
      }) : () -> ()
      "tpu.region"() ({
        %run_scoped3A = tpu.sem_alloc : memref<!tpu.dma_semaphore, #tpu.memory_space<semaphore_mem>>
        %dma_start3A_41 = tpu.memref_slice %arg4[%multiple_of3A] : memref<323584xi32, #tpu.memory_space<hbm>> -> memref<128xi32, #tpu.memory_space<hbm>>
        %dma_start3A_42 = tpu.memref_slice %arg4[%multiple_of3A] : memref<323584xi32, #tpu.memory_space<hbm>> -> memref<128xi32, #tpu.memory_space<hbm>>
        tpu.enqueue_dma source(%dma_start3A_42 : memref<128xi32, #tpu.memory_space<hbm>>) target(%arg7 : memref<128xi32, #tpu.memory_space<vmem>>) target_semaphore(%run_scoped3A : memref<!tpu.dma_semaphore, #tpu.memory_space<semaphore_mem>>)
        %dma_wait3A_43 = tpu.memref_slice %arg4[%multiple_of3A] : memref<323584xi32, #tpu.memory_space<hbm>> -> memref<128xi32, #tpu.memory_space<hbm>>
        %dma_wait3A_44 = tpu.memref_slice %arg4[%multiple_of3A] : memref<323584xi32, #tpu.memory_space<hbm>> -> memref<128xi32, #tpu.memory_space<hbm>>
        tpu.wait_dma2 semaphore(%run_scoped3A : memref<!tpu.dma_semaphore, #tpu.memory_space<semaphore_mem>>) src(%dma_wait3A_44 : memref<128xi32, #tpu.memory_space<hbm>>) dst(%arg7 : memref<128xi32, #tpu.memory_space<vmem>>)
        tpu.yield
      }) : () -> ()
      %dma_start3A = arith.constant 0 : i32
      %dma_start3A_36 = arith.constant 0 : i32
      %dma_start3A_37 = tpu.memref_slice %arg2[%dma_start3A, %dma_start3A_36] : memref<10000x128xf32, #tpu.memory_space<hbm>> -> memref<10000x128xf32, #tpu.memory_space<hbm>>
      tpu.enqueue_indirect_dma source(%dma_start3A_37 : memref<10000x128xf32, #tpu.memory_space<hbm>>) target(%arg8 : memref<128x128xf32, #tpu.memory_space<vmem>>) offsets(%arg6 : memref<128xi32, #tpu.memory_space<vmem>>) semaphore(%arg12 : memref<!tpu.dma_semaphore, #tpu.memory_space<semaphore_mem>>)
      %dma_wait3A = arith.constant 0 : i32
      %dma_wait3A_38 = arith.constant 0 : i32
      %dma_wait3A_39 = tpu.memref_slice %arg2[%dma_wait3A, %dma_wait3A_38] : memref<10000x128xf32, #tpu.memory_space<hbm>> -> memref<10000x128xf32, #tpu.memory_space<hbm>>
      tpu.wait_indirect_dma semaphore(%arg12 : memref<!tpu.dma_semaphore, #tpu.memory_space<semaphore_mem>>) src(%dma_wait3A_39 : memref<10000x128xf32, #tpu.memory_space<hbm>>) dst(%arg8 : memref<128x128xf32, #tpu.memory_space<vmem>>)
      "tpu.region"() ({
        %run_scoped3A = tpu.sem_alloc : memref<!tpu.dma_semaphore, #tpu.memory_space<semaphore_mem>>
        %dma_start3A_41 = arith.constant 0 : i32
        %dma_start3A_42 = arith.constant 0 : i32
        %dma_start3A_43 = tpu.memref_slice %arg11[%dma_start3A_41, %dma_start3A_42] : memref<10240x128xf32, #tpu.memory_space<vmem_shared>> -> memref<10240x128xf32, #tpu.memory_space<vmem_shared>>
        tpu.enqueue_indirect_dma source(%arg8 : memref<128x128xf32, #tpu.memory_space<vmem>>) target(%dma_start3A_43 : memref<10240x128xf32, #tpu.memory_space<vmem_shared>>) offsets(%arg7 : memref<128xi32, #tpu.memory_space<vmem>>) semaphore(%run_scoped3A : memref<!tpu.dma_semaphore, #tpu.memory_space<semaphore_mem>>) {add = true}
        %dma_wait3A_44 = arith.constant 0 : i32
        %dma_wait3A_45 = arith.constant 0 : i32
        %dma_wait3A_46 = tpu.memref_slice %arg11[%dma_wait3A_44, %dma_wait3A_45] : memref<10240x128xf32, #tpu.memory_space<vmem_shared>> -> memref<10240x128xf32, #tpu.memory_space<vmem_shared>>
        tpu.wait_indirect_dma semaphore(%run_scoped3A : memref<!tpu.dma_semaphore, #tpu.memory_space<semaphore_mem>>) src(%arg8 : memref<128x128xf32, #tpu.memory_space<vmem>>) dst(%dma_wait3A_46 : memref<10240x128xf32, #tpu.memory_space<vmem_shared>>)
        tpu.yield
      }) : () -> ()
      %scan3A_40 = arith.constant 0 : i32
      scf.yield %scan3A_40 : i32
    }
    %scan3A_20 = arith.constant 79 : i32
    %barrier3A_21 = arith.constant 0 : index
    tpu.barrier barrier_id(%barrier3A_21)
    %scan3A_22 = arith.constant 0 : i32
    %scan3A_23 = arith.constant 0 : i32
    %scan3A_24 = arith.constant 5 : i32
    %scan3A_25 = arith.addi %scan3A_23, %scan3A_24 : i32
    %scan3A_26 = arith.constant 1 : i32
    %scan3A_27 = scf.for %scan3A_29 = %scan3A_23 to %scan3A_25 step %scan3A_26 iter_args(%scan3A_30 = %scan3A_22) -> (i32)  : i32 {
      %mul3A_31 = arith.constant 640 : i32
      %mul3A_32 = arith.muli %arg1, %mul3A_31 : i32
      %mul3A_33 = arith.constant 128 : i32
      %mul3A_34 = arith.muli %scan3A_29, %mul3A_33 : i32
      %add3A_35 = arith.addi %mul3A_32, %mul3A_34 : i32
      "tpu.region"() ({
        %run_scoped3A = tpu.sem_alloc : memref<!tpu.dma_semaphore, #tpu.memory_space<semaphore_mem>>
        %dma_start3A = arith.constant 0 : i32
        %dma_start3A_37 = tpu.memref_slice %arg11[%add3A_35, %dma_start3A] : memref<10240x128xf32, #tpu.memory_space<vmem_shared>> -> memref<128x128xf32, #tpu.memory_space<vmem_shared>>
        %dma_start3A_38 = arith.constant 0 : i32
        %dma_start3A_39 = tpu.memref_slice %arg11[%add3A_35, %dma_start3A_38] : memref<10240x128xf32, #tpu.memory_space<vmem_shared>> -> memref<128x128xf32, #tpu.memory_space<vmem_shared>>
        tpu.enqueue_dma source(%dma_start3A_39 : memref<128x128xf32, #tpu.memory_space<vmem_shared>>) target(%arg10 : memref<128x128xf32, #tpu.memory_space<vmem>>) target_semaphore(%run_scoped3A : memref<!tpu.dma_semaphore, #tpu.memory_space<semaphore_mem>>)
        %dma_wait3A = arith.constant 0 : i32
        %dma_wait3A_40 = tpu.memref_slice %arg11[%add3A_35, %dma_wait3A] : memref<10240x128xf32, #tpu.memory_space<vmem_shared>> -> memref<128x128xf32, #tpu.memory_space<vmem_shared>>
        %dma_wait3A_41 = arith.constant 0 : i32
        %dma_wait3A_42 = tpu.memref_slice %arg11[%add3A_35, %dma_wait3A_41] : memref<10240x128xf32, #tpu.memory_space<vmem_shared>> -> memref<128x128xf32, #tpu.memory_space<vmem_shared>>
        tpu.wait_dma2 semaphore(%run_scoped3A : memref<!tpu.dma_semaphore, #tpu.memory_space<semaphore_mem>>) src(%dma_wait3A_42 : memref<128x128xf32, #tpu.memory_space<vmem_shared>>) dst(%arg10 : memref<128x128xf32, #tpu.memory_space<vmem>>)
        tpu.yield
      }) : () -> ()
      "tpu.region"() ({
        %run_scoped3A = tpu.sem_alloc : memref<!tpu.dma_semaphore, #tpu.memory_space<semaphore_mem>>
        %dma_start3A = arith.constant 0 : i32
        %dma_start3A_37 = tpu.memref_slice %arg5[%arg0, %add3A_35, %dma_start3A] : memref<2x10240x128xf32, #tpu.memory_space<hbm>> -> memref<1x128x128xf32, #tpu.memory_space<hbm>>
        %dma_start3A_38 = tpu.memref_squeeze %dma_start3A_37 : memref<1x128x128xf32, #tpu.memory_space<hbm>> -> memref<128x128xf32, #tpu.memory_space<hbm>>
        %dma_start3A_39 = arith.constant 0 : i32
        %dma_start3A_40 = tpu.memref_slice %arg5[%arg0, %add3A_35, %dma_start3A_39] : memref<2x10240x128xf32, #tpu.memory_space<hbm>> -> memref<1x128x128xf32, #tpu.memory_space<hbm>>
        %dma_start3A_41 = tpu.memref_squeeze %dma_start3A_40 : memref<1x128x128xf32, #tpu.memory_space<hbm>> -> memref<128x128xf32, #tpu.memory_space<hbm>>
        tpu.enqueue_dma source(%arg10 : memref<128x128xf32, #tpu.memory_space<vmem>>) target(%dma_start3A_41 : memref<128x128xf32, #tpu.memory_space<hbm>>) target_semaphore(%run_scoped3A : memref<!tpu.dma_semaphore, #tpu.memory_space<semaphore_mem>>)
        %dma_wait3A = arith.constant 0 : i32
        %dma_wait3A_42 = tpu.memref_slice %arg5[%arg0, %add3A_35, %dma_wait3A] : memref<2x10240x128xf32, #tpu.memory_space<hbm>> -> memref<1x128x128xf32, #tpu.memory_space<hbm>>
        %dma_wait3A_43 = tpu.memref_squeeze %dma_wait3A_42 : memref<1x128x128xf32, #tpu.memory_space<hbm>> -> memref<128x128xf32, #tpu.memory_space<hbm>>
        %dma_wait3A_44 = arith.constant 0 : i32
        %dma_wait3A_45 = tpu.memref_slice %arg5[%arg0, %add3A_35, %dma_wait3A_44] : memref<2x10240x128xf32, #tpu.memory_space<hbm>> -> memref<1x128x128xf32, #tpu.memory_space<hbm>>
        %dma_wait3A_46 = tpu.memref_squeeze %dma_wait3A_45 : memref<1x128x128xf32, #tpu.memory_space<hbm>> -> memref<128x128xf32, #tpu.memory_space<hbm>>
        tpu.wait_dma2 semaphore(%run_scoped3A : memref<!tpu.dma_semaphore, #tpu.memory_space<semaphore_mem>>) src(%arg10 : memref<128x128xf32, #tpu.memory_space<vmem>>) dst(%dma_wait3A_46 : memref<128x128xf32, #tpu.memory_space<hbm>>)
        tpu.yield
      }) : () -> ()
      %scan3A_36 = arith.constant 0 : i32
      scf.yield %scan3A_36 : i32
    }
    %scan3A_28 = arith.constant 5 : i32
    return
  }
}

#map = affine_map<(d0, d1) -> (0, 0)>
#map1 = affine_map<(d0, d1) -> (0)>
#map2 = affine_map<(d0, d1) -> (0, 0, 0)>
module attributes {stable_mosaic.version = 14 : i64} {
  func.func @_edge_sc(%arg0: i32, %arg1: i32, %arg2: memref<10000x128xf32, #tpu.memory_space<hbm>>, %arg3: memref<323584xi32, #tpu.memory_space<hbm>>, %arg4: memref<323584xi32, #tpu.memory_space<hbm>>, %arg5: memref<2x10240x128xf32, #tpu.memory_space<hbm>>, %arg6: memref<128xi32, #tpu.memory_space<vmem>>, %arg7: memref<128xi32, #tpu.memory_space<vmem>>, %arg8: memref<128x128xf32, #tpu.memory_space<vmem>>, %arg9: memref<16x128xf32, #tpu.memory_space<vmem>>, %arg10: memref<128x128xf32, #tpu.memory_space<vmem>>, %arg11: memref<10240x128xf32, #tpu.memory_space<vmem_shared>>, %arg12: memref<!tpu.dma_semaphore, #tpu.memory_space<semaphore_mem>>) attributes {dimension_semantics = [#tpu.dimension_semantics<core_parallel>, #tpu.dimension_semantics<subcore_parallel>], iteration_bounds = array<i64: 2, 16>, scalar_prefetch = 0 : i64, scratch_operands = 7 : i64, tpu.core_type = #tpu.core_type<sc_vector_subcore>, window_params = [{transform_indices = #map}, {transform_indices = #map1}, {transform_indices = #map1}, {transform_indices = #map2}]} {
    %mul3A = arith.constant 16 : i32
    %mul3A_0 = arith.muli %arg0, %mul3A : i32
    %add3A = arith.addi %mul3A_0, %arg1 : i32
    %scan3A = arith.constant 0 : i32
    %scan3A_1 = arith.constant 0 : i32
    %scan3A_2 = arith.constant 128 : i32
    %scan3A_3 = arith.addi %scan3A_1, %scan3A_2 : i32
    %scan3A_4 = arith.constant 1 : i32
    %scan3A_5 = scf.for %scan3A_29 = %scan3A_1 to %scan3A_3 step %scan3A_4 iter_args(%scan3A_30 = %scan3A) -> (i32)  : i32 {
      %jit3A = arith.constant 8 : i32
      %div3A = arith.divsi %scan3A_29, %jit3A : i32
      %sign3A = arith.constant 0 : i32
      %sign3A_31 = arith.cmpi sgt, %scan3A_29, %sign3A : i32
      %sign3A_32 = arith.extui %sign3A_31 : i1 to i32
      %sign3A_33 = arith.constant 0 : i32
      %sign3A_34 = arith.cmpi slt, %scan3A_29, %sign3A_33 : i32
      %sign3A_35 = arith.extui %sign3A_34 : i1 to i32
      %sign3A_36 = arith.subi %sign3A_32, %sign3A_35 : i32
      %sign3A_37 = arith.constant 0 : i32
      %sign3A_38 = arith.cmpi sgt, %jit3A, %sign3A_37 : i32
      %sign3A_39 = arith.extui %sign3A_38 : i1 to i32
      %sign3A_40 = arith.constant 0 : i32
      %sign3A_41 = arith.cmpi slt, %jit3A, %sign3A_40 : i32
      %sign3A_42 = arith.extui %sign3A_41 : i1 to i32
      %sign3A_43 = arith.subi %sign3A_39, %sign3A_42 : i32
      %ne3A = arith.cmpi ne, %sign3A_36, %sign3A_43 : i32
      %rem3A = arith.remsi %scan3A_29, %jit3A : i32
      %ne3A_44 = arith.constant 0 : i32
      %ne3A_45 = arith.cmpi ne, %rem3A, %ne3A_44 : i32
      %and3A = arith.andi %ne3A, %ne3A_45 : i1
      %sub3A = arith.constant 1 : i32
      %sub3A_46 = arith.subi %div3A, %sub3A : i32
      %select_n3A = arith.select %and3A, %sub3A_46, %div3A : i32
      %jit3A_47 = arith.constant 8 : i32
      %eq3A = arith.constant 0 : i32
      %eq3A_48 = arith.cmpi eq, %jit3A_47, %eq3A : i32
      %jit3A_49 = arith.constant 1 : i32
      %select_n3A_50 = arith.select %eq3A_48, %jit3A_49, %jit3A_47 : i32
      %rem3A_51 = arith.remsi %scan3A_29, %select_n3A_50 : i32
      %ne3A_52 = arith.constant 0 : i32
      %ne3A_53 = arith.cmpi ne, %rem3A_51, %ne3A_52 : i32
      %lt3A = arith.constant 0 : i32
      %lt3A_54 = arith.cmpi slt, %rem3A_51, %lt3A : i32
      %lt3A_55 = arith.constant 0 : i32
      %lt3A_56 = arith.cmpi slt, %select_n3A_50, %lt3A_55 : i32
      %ne3A_57 = arith.xori %lt3A_54, %lt3A_56 : i1
      %and3A_58 = arith.andi %ne3A_57, %ne3A_53 : i1
      %add3A_59 = arith.addi %rem3A_51, %select_n3A_50 : i32
      %select_n3A_60 = arith.select %and3A_58, %add3A_59, %rem3A_51 : i32
      %mul3A_61 = arith.constant 16 : i32
      %mul3A_62 = arith.muli %select_n3A_60, %mul3A_61 : i32
      %broadcast_in_dim3A = arith.constant 0.000000e+00 : f32
      %broadcast_in_dim3A_63 = vector.broadcast %broadcast_in_dim3A : f32 to vector<16xf32>
      %swap3A = arith.index_cast %select_n3A : i32 to index
      %swap3A_64 = arith.index_cast %mul3A_62 : i32 to index
      %swap3A_65 = tpu.vector_load %arg9[%swap3A, %swap3A_64] {strides = array<i32>} : memref<16x128xf32, #tpu.memory_space<vmem>>, vector<1x16xf32>,
      %swap3A_66 = vector.shape_cast %swap3A_65 : vector<1x16xf32> to vector<16xf32>
      %swap3A_67 = vector.shape_cast %broadcast_in_dim3A_63 : vector<16xf32> to vector<1x16xf32>
      tpu.vector_store %arg9[%swap3A, %swap3A_64], %swap3A_67 {strides = array<i32>} : memref<16x128xf32, #tpu.memory_space<vmem>>, vector<1x16xf32>,
      %scan3A_68 = arith.constant 0 : i32
      scf.yield %scan3A_68 : i32
    }
    %scan3A_6 = arith.constant 128 : i32
    %scan3A_7 = arith.constant 0 : i32
    %scan3A_8 = arith.constant 0 : i32
    %scan3A_9 = arith.constant 40 : i32
    %scan3A_10 = arith.addi %scan3A_8, %scan3A_9 : i32
    %scan3A_11 = arith.constant 1 : i32
    %scan3A_12 = scf.for %scan3A_29 = %scan3A_8 to %scan3A_10 step %scan3A_11 iter_args(%scan3A_30 = %scan3A_7) -> (i32)  : i32 {
      %mul3A_31 = arith.constant 640 : i32
      %mul3A_32 = arith.muli %arg1, %mul3A_31 : i32
      %mul3A_33 = arith.constant 16 : i32
      %mul3A_34 = arith.muli %scan3A_29, %mul3A_33 : i32
      %add3A_35 = arith.addi %mul3A_32, %mul3A_34 : i32
      "tpu.region"() ({
        %run_scoped3A = tpu.sem_alloc : memref<!tpu.dma_semaphore, #tpu.memory_space<semaphore_mem>>
        %dma_start3A = arith.constant 0 : i32
        %dma_start3A_37 = tpu.memref_slice %arg11[%add3A_35, %dma_start3A] : memref<10240x128xf32, #tpu.memory_space<vmem_shared>> -> memref<16x128xf32, #tpu.memory_space<vmem_shared>>
        %dma_start3A_38 = arith.constant 0 : i32
        %dma_start3A_39 = tpu.memref_slice %arg11[%add3A_35, %dma_start3A_38] : memref<10240x128xf32, #tpu.memory_space<vmem_shared>> -> memref<16x128xf32, #tpu.memory_space<vmem_shared>>
        tpu.enqueue_dma source(%arg9 : memref<16x128xf32, #tpu.memory_space<vmem>>) target(%dma_start3A_39 : memref<16x128xf32, #tpu.memory_space<vmem_shared>>) target_semaphore(%run_scoped3A : memref<!tpu.dma_semaphore, #tpu.memory_space<semaphore_mem>>)
        %dma_wait3A = arith.constant 0 : i32
        %dma_wait3A_40 = tpu.memref_slice %arg11[%add3A_35, %dma_wait3A] : memref<10240x128xf32, #tpu.memory_space<vmem_shared>> -> memref<16x128xf32, #tpu.memory_space<vmem_shared>>
        %dma_wait3A_41 = arith.constant 0 : i32
        %dma_wait3A_42 = tpu.memref_slice %arg11[%add3A_35, %dma_wait3A_41] : memref<10240x128xf32, #tpu.memory_space<vmem_shared>> -> memref<16x128xf32, #tpu.memory_space<vmem_shared>>
        tpu.wait_dma2 semaphore(%run_scoped3A : memref<!tpu.dma_semaphore, #tpu.memory_space<semaphore_mem>>) src(%arg9 : memref<16x128xf32, #tpu.memory_space<vmem>>) dst(%dma_wait3A_42 : memref<16x128xf32, #tpu.memory_space<vmem_shared>>)
        tpu.yield
      }) : () -> ()
      %scan3A_36 = arith.constant 0 : i32
      scf.yield %scan3A_36 : i32
    }
    %scan3A_13 = arith.constant 40 : i32
    %barrier3A = arith.constant 0 : index
    tpu.barrier barrier_id(%barrier3A)
    %scan3A_14 = arith.constant 0 : i32
    %scan3A_15 = arith.constant 0 : i32
    %scan3A_16 = arith.constant 79 : i32
    %scan3A_17 = arith.addi %scan3A_15, %scan3A_16 : i32
    %scan3A_18 = arith.constant 1 : i32
    %scan3A_19 = scf.for %scan3A_29 = %scan3A_15 to %scan3A_17 step %scan3A_18 iter_args(%scan3A_30 = %scan3A_14) -> (i32)  : i32 {
      %mul3A_31 = arith.constant 10112 : i32
      %mul3A_32 = arith.muli %add3A, %mul3A_31 : i32
      %mul3A_33 = arith.constant 128 : i32
      %mul3A_34 = arith.muli %scan3A_29, %mul3A_33 : i32
      %add3A_35 = arith.addi %mul3A_32, %mul3A_34 : i32
      %multiple_of3A = tpu.assume_multiple %add3A_35, 8 : i32
      "tpu.region"() ({
        %run_scoped3A = tpu.sem_alloc : memref<!tpu.dma_semaphore, #tpu.memory_space<semaphore_mem>>
        %dma_start3A_41 = tpu.memref_slice %arg3[%multiple_of3A] : memref<323584xi32, #tpu.memory_space<hbm>> -> memref<128xi32, #tpu.memory_space<hbm>>
        %dma_start3A_42 = tpu.memref_slice %arg3[%multiple_of3A] : memref<323584xi32, #tpu.memory_space<hbm>> -> memref<128xi32, #tpu.memory_space<hbm>>
        tpu.enqueue_dma source(%dma_start3A_42 : memref<128xi32, #tpu.memory_space<hbm>>) target(%arg6 : memref<128xi32, #tpu.memory_space<vmem>>) target_semaphore(%run_scoped3A : memref<!tpu.dma_semaphore, #tpu.memory_space<semaphore_mem>>)
        %dma_wait3A_43 = tpu.memref_slice %arg3[%multiple_of3A] : memref<323584xi32, #tpu.memory_space<hbm>> -> memref<128xi32, #tpu.memory_space<hbm>>
        %dma_wait3A_44 = tpu.memref_slice %arg3[%multiple_of3A] : memref<323584xi32, #tpu.memory_space<hbm>> -> memref<128xi32, #tpu.memory_space<hbm>>
        tpu.wait_dma2 semaphore(%run_scoped3A : memref<!tpu.dma_semaphore, #tpu.memory_space<semaphore_mem>>) src(%dma_wait3A_44 : memref<128xi32, #tpu.memory_space<hbm>>) dst(%arg6 : memref<128xi32, #tpu.memory_space<vmem>>)
        tpu.yield
      }) : () -> ()
      "tpu.region"() ({
        %run_scoped3A = tpu.sem_alloc : memref<!tpu.dma_semaphore, #tpu.memory_space<semaphore_mem>>
        %dma_start3A_41 = tpu.memref_slice %arg4[%multiple_of3A] : memref<323584xi32, #tpu.memory_space<hbm>> -> memref<128xi32, #tpu.memory_space<hbm>>
        %dma_start3A_42 = tpu.memref_slice %arg4[%multiple_of3A] : memref<323584xi32, #tpu.memory_space<hbm>> -> memref<128xi32, #tpu.memory_space<hbm>>
        tpu.enqueue_dma source(%dma_start3A_42 : memref<128xi32, #tpu.memory_space<hbm>>) target(%arg7 : memref<128xi32, #tpu.memory_space<vmem>>) target_semaphore(%run_scoped3A : memref<!tpu.dma_semaphore, #tpu.memory_space<semaphore_mem>>)
        %dma_wait3A_43 = tpu.memref_slice %arg4[%multiple_of3A] : memref<323584xi32, #tpu.memory_space<hbm>> -> memref<128xi32, #tpu.memory_space<hbm>>
        %dma_wait3A_44 = tpu.memref_slice %arg4[%multiple_of3A] : memref<323584xi32, #tpu.memory_space<hbm>> -> memref<128xi32, #tpu.memory_space<hbm>>
        tpu.wait_dma2 semaphore(%run_scoped3A : memref<!tpu.dma_semaphore, #tpu.memory_space<semaphore_mem>>) src(%dma_wait3A_44 : memref<128xi32, #tpu.memory_space<hbm>>) dst(%arg7 : memref<128xi32, #tpu.memory_space<vmem>>)
        tpu.yield
      }) : () -> ()
      %dma_start3A = arith.constant 0 : i32
      %dma_start3A_36 = arith.constant 0 : i32
      %dma_start3A_37 = tpu.memref_slice %arg2[%dma_start3A, %dma_start3A_36] : memref<10000x128xf32, #tpu.memory_space<hbm>> -> memref<10000x128xf32, #tpu.memory_space<hbm>>
      tpu.enqueue_indirect_dma source(%dma_start3A_37 : memref<10000x128xf32, #tpu.memory_space<hbm>>) target(%arg8 : memref<128x128xf32, #tpu.memory_space<vmem>>) offsets(%arg6 : memref<128xi32, #tpu.memory_space<vmem>>) semaphore(%arg12 : memref<!tpu.dma_semaphore, #tpu.memory_space<semaphore_mem>>)
      %dma_wait3A = arith.constant 0 : i32
      %dma_wait3A_38 = arith.constant 0 : i32
      %dma_wait3A_39 = tpu.memref_slice %arg2[%dma_wait3A, %dma_wait3A_38] : memref<10000x128xf32, #tpu.memory_space<hbm>> -> memref<10000x128xf32, #tpu.memory_space<hbm>>
      tpu.wait_indirect_dma semaphore(%arg12 : memref<!tpu.dma_semaphore, #tpu.memory_space<semaphore_mem>>) src(%dma_wait3A_39 : memref<10000x128xf32, #tpu.memory_space<hbm>>) dst(%arg8 : memref<128x128xf32, #tpu.memory_space<vmem>>)
      "tpu.region"() ({
        %run_scoped3A = tpu.sem_alloc : memref<!tpu.dma_semaphore, #tpu.memory_space<semaphore_mem>>
        %dma_start3A_41 = arith.constant 0 : i32
        %dma_start3A_42 = arith.constant 0 : i32
        %dma_start3A_43 = tpu.memref_slice %arg11[%dma_start3A_41, %dma_start3A_42] : memref<10240x128xf32, #tpu.memory_space<vmem_shared>> -> memref<10240x128xf32, #tpu.memory_space<vmem_shared>>
        tpu.enqueue_indirect_dma source(%arg8 : memref<128x128xf32, #tpu.memory_space<vmem>>) target(%dma_start3A_43 : memref<10240x128xf32, #tpu.memory_space<vmem_shared>>) offsets(%arg7 : memref<128xi32, #tpu.memory_space<vmem>>) semaphore(%run_scoped3A : memref<!tpu.dma_semaphore, #tpu.memory_space<semaphore_mem>>) {add = true}
        %dma_wait3A_44 = arith.constant 0 : i32
        %dma_wait3A_45 = arith.constant 0 : i32
        %dma_wait3A_46 = tpu.memref_slice %arg11[%dma_wait3A_44, %dma_wait3A_45] : memref<10240x128xf32, #tpu.memory_space<vmem_shared>> -> memref<10240x128xf32, #tpu.memory_space<vmem_shared>>
        tpu.wait_indirect_dma semaphore(%run_scoped3A : memref<!tpu.dma_semaphore, #tpu.memory_space<semaphore_mem>>) src(%arg8 : memref<128x128xf32, #tpu.memory_space<vmem>>) dst(%dma_wait3A_46 : memref<10240x128xf32, #tpu.memory_space<vmem_shared>>)
        tpu.yield
      }) : () -> ()
      %scan3A_40 = arith.constant 0 : i32
      scf.yield %scan3A_40 : i32
    }
    %scan3A_20 = arith.constant 79 : i32
    %barrier3A_21 = arith.constant 0 : index
    tpu.barrier barrier_id(%barrier3A_21)
    %scan3A_22 = arith.constant 0 : i32
    %scan3A_23 = arith.constant 0 : i32
    %scan3A_24 = arith.constant 5 : i32
    %scan3A_25 = arith.addi %scan3A_23, %scan3A_24 : i32
    %scan3A_26 = arith.constant 1 : i32
    %scan3A_27 = scf.for %scan3A_29 = %scan3A_23 to %scan3A_25 step %scan3A_26 iter_args(%scan3A_30 = %scan3A_22) -> (i32)  : i32 {
      %mul3A_31 = arith.constant 640 : i32
      %mul3A_32 = arith.muli %arg1, %mul3A_31 : i32
      %mul3A_33 = arith.constant 128 : i32
      %mul3A_34 = arith.muli %scan3A_29, %mul3A_33 : i32
      %add3A_35 = arith.addi %mul3A_32, %mul3A_34 : i32
      "tpu.region"() ({
        %run_scoped3A = tpu.sem_alloc : memref<!tpu.dma_semaphore, #tpu.memory_space<semaphore_mem>>
        %dma_start3A = arith.constant 0 : i32
        %dma_start3A_37 = tpu.memref_slice %arg11[%add3A_35, %dma_start3A] : memref<10240x128xf32, #tpu.memory_space<vmem_shared>> -> memref<128x128xf32, #tpu.memory_space<vmem_shared>>
        %dma_start3A_38 = arith.constant 0 : i32
        %dma_start3A_39 = tpu.memref_slice %arg11[%add3A_35, %dma_start3A_38] : memref<10240x128xf32, #tpu.memory_space<vmem_shared>> -> memref<128x128xf32, #tpu.memory_space<vmem_shared>>
        tpu.enqueue_dma source(%dma_start3A_39 : memref<128x128xf32, #tpu.memory_space<vmem_shared>>) target(%arg10 : memref<128x128xf32, #tpu.memory_space<vmem>>) target_semaphore(%run_scoped3A : memref<!tpu.dma_semaphore, #tpu.memory_space<semaphore_mem>>)
        %dma_wait3A = arith.constant 0 : i32
        %dma_wait3A_40 = tpu.memref_slice %arg11[%add3A_35, %dma_wait3A] : memref<10240x128xf32, #tpu.memory_space<vmem_shared>> -> memref<128x128xf32, #tpu.memory_space<vmem_shared>>
        %dma_wait3A_41 = arith.constant 0 : i32
        %dma_wait3A_42 = tpu.memref_slice %arg11[%add3A_35, %dma_wait3A_41] : memref<10240x128xf32, #tpu.memory_space<vmem_shared>> -> memref<128x128xf32, #tpu.memory_space<vmem_shared>>
        tpu.wait_dma2 semaphore(%run_scoped3A : memref<!tpu.dma_semaphore, #tpu.memory_space<semaphore_mem>>) src(%dma_wait3A_42 : memref<128x128xf32, #tpu.memory_space<vmem_shared>>) dst(%arg10 : memref<128x128xf32, #tpu.memory_space<vmem>>)
        tpu.yield
      }) : () -> ()
      "tpu.region"() ({
        %run_scoped3A = tpu.sem_alloc : memref<!tpu.dma_semaphore, #tpu.memory_space<semaphore_mem>>
        %dma_start3A = arith.constant 0 : i32
        %dma_start3A_37 = tpu.memref_slice %arg5[%arg0, %add3A_35, %dma_start3A] : memref<2x10240x128xf32, #tpu.memory_space<hbm>> -> memref<1x128x128xf32, #tpu.memory_space<hbm>>
        %dma_start3A_38 = tpu.memref_squeeze %dma_start3A_37 : memref<1x128x128xf32, #tpu.memory_space<hbm>> -> memref<128x128xf32, #tpu.memory_space<hbm>>
        %dma_start3A_39 = arith.constant 0 : i32
        %dma_start3A_40 = tpu.memref_slice %arg5[%arg0, %add3A_35, %dma_start3A_39] : memref<2x10240x128xf32, #tpu.memory_space<hbm>> -> memref<1x128x128xf32, #tpu.memory_space<hbm>>
        %dma_start3A_41 = tpu.memref_squeeze %dma_start3A_40 : memref<1x128x128xf32, #tpu.memory_space<hbm>> -> memref<128x128xf32, #tpu.memory_space<hbm>>
        tpu.enqueue_dma source(%arg10 : memref<128x128xf32, #tpu.memory_space<vmem>>) target(%dma_start3A_41 : memref<128x128xf32, #tpu.memory_space<hbm>>) target_semaphore(%run_scoped3A : memref<!tpu.dma_semaphore, #tpu.memory_space<semaphore_mem>>)
        %dma_wait3A = arith.constant 0 : i32
        %dma_wait3A_42 = tpu.memref_slice %arg5[%arg0, %add3A_35, %dma_wait3A] : memref<2x10240x128xf32, #tpu.memory_space<hbm>> -> memref<1x128x128xf32, #tpu.memory_space<hbm>>
        %dma_wait3A_43 = tpu.memref_squeeze %dma_wait3A_42 : memref<1x128x128xf32, #tpu.memory_space<hbm>> -> memref<128x128xf32, #tpu.memory_space<hbm>>
        %dma_wait3A_44 = arith.constant 0 : i32
        %dma_wait3A_45 = tpu.memref_slice %arg5[%arg0, %add3A_35, %dma_wait3A_44] : memref<2x10240x128xf32, #tpu.memory_space<hbm>> -> memref<1x128x128xf32, #tpu.memory_space<hbm>>
        %dma_wait3A_46 = tpu.memref_squeeze %dma_wait3A_45 : memref<1x128x128xf32, #tpu.memory_space<hbm>> -> memref<128x128xf32, #tpu.memory_space<hbm>>
        tpu.wait_dma2 semaphore(%run_scoped3A : memref<!tpu.dma_semaphore, #tpu.memory_space<semaphore_mem>>) src(%arg10 : memref<128x128xf32, #tpu.memory_space<vmem>>) dst(%dma_wait3A_46 : memref<128x128xf32, #tpu.memory_space<hbm>>)
        tpu.yield
      }) : () -> ()
      %scan3A_36 = arith.constant 0 : i32
      scf.yield %scan3A_36 : i32
    }
    %scan3A_28 = arith.constant 5 : i32
    return
  }
}

#map = affine_map<(d0, d1) -> (0, 0)>
#map1 = affine_map<(d0, d1) -> (0)>
#map2 = affine_map<(d0, d1) -> (0, 0, 0)>
module attributes {stable_mosaic.version = 14 : i64} {
  func.func @_edge_sc(%arg0: i32, %arg1: i32, %arg2: memref<10000x128xf32, #tpu.memory_space<hbm>>, %arg3: memref<323584xi32, #tpu.memory_space<hbm>>, %arg4: memref<323584xi32, #tpu.memory_space<hbm>>, %arg5: memref<2x10240x128xf32, #tpu.memory_space<hbm>>, %arg6: memref<128xi32, #tpu.memory_space<vmem>>, %arg7: memref<128xi32, #tpu.memory_space<vmem>>, %arg8: memref<128x128xf32, #tpu.memory_space<vmem>>, %arg9: memref<16x128xf32, #tpu.memory_space<vmem>>, %arg10: memref<128x128xf32, #tpu.memory_space<vmem>>, %arg11: memref<10240x128xf32, #tpu.memory_space<vmem_shared>>, %arg12: memref<!tpu.dma_semaphore, #tpu.memory_space<semaphore_mem>>) attributes {dimension_semantics = [#tpu.dimension_semantics<core_parallel>, #tpu.dimension_semantics<subcore_parallel>], iteration_bounds = array<i64: 2, 16>, scalar_prefetch = 0 : i64, scratch_operands = 7 : i64, tpu.core_type = #tpu.core_type<sc_vector_subcore>, window_params = [{transform_indices = #map}, {transform_indices = #map1}, {transform_indices = #map1}, {transform_indices = #map2}]} {
    %mul3A = arith.constant 16 : i32
    %mul3A_0 = arith.muli %arg0, %mul3A : i32
    %add3A = arith.addi %mul3A_0, %arg1 : i32
    %scan3A = arith.constant 0 : i32
    %scan3A_1 = arith.constant 0 : i32
    %scan3A_2 = arith.constant 128 : i32
    %scan3A_3 = arith.addi %scan3A_1, %scan3A_2 : i32
    %scan3A_4 = arith.constant 1 : i32
    %scan3A_5 = scf.for %scan3A_29 = %scan3A_1 to %scan3A_3 step %scan3A_4 iter_args(%scan3A_30 = %scan3A) -> (i32)  : i32 {
      %jit3A = arith.constant 8 : i32
      %div3A = arith.divsi %scan3A_29, %jit3A : i32
      %sign3A = arith.constant 0 : i32
      %sign3A_31 = arith.cmpi sgt, %scan3A_29, %sign3A : i32
      %sign3A_32 = arith.extui %sign3A_31 : i1 to i32
      %sign3A_33 = arith.constant 0 : i32
      %sign3A_34 = arith.cmpi slt, %scan3A_29, %sign3A_33 : i32
      %sign3A_35 = arith.extui %sign3A_34 : i1 to i32
      %sign3A_36 = arith.subi %sign3A_32, %sign3A_35 : i32
      %sign3A_37 = arith.constant 0 : i32
      %sign3A_38 = arith.cmpi sgt, %jit3A, %sign3A_37 : i32
      %sign3A_39 = arith.extui %sign3A_38 : i1 to i32
      %sign3A_40 = arith.constant 0 : i32
      %sign3A_41 = arith.cmpi slt, %jit3A, %sign3A_40 : i32
      %sign3A_42 = arith.extui %sign3A_41 : i1 to i32
      %sign3A_43 = arith.subi %sign3A_39, %sign3A_42 : i32
      %ne3A = arith.cmpi ne, %sign3A_36, %sign3A_43 : i32
      %rem3A = arith.remsi %scan3A_29, %jit3A : i32
      %ne3A_44 = arith.constant 0 : i32
      %ne3A_45 = arith.cmpi ne, %rem3A, %ne3A_44 : i32
      %and3A = arith.andi %ne3A, %ne3A_45 : i1
      %sub3A = arith.constant 1 : i32
      %sub3A_46 = arith.subi %div3A, %sub3A : i32
      %select_n3A = arith.select %and3A, %sub3A_46, %div3A : i32
      %jit3A_47 = arith.constant 8 : i32
      %eq3A = arith.constant 0 : i32
      %eq3A_48 = arith.cmpi eq, %jit3A_47, %eq3A : i32
      %jit3A_49 = arith.constant 1 : i32
      %select_n3A_50 = arith.select %eq3A_48, %jit3A_49, %jit3A_47 : i32
      %rem3A_51 = arith.remsi %scan3A_29, %select_n3A_50 : i32
      %ne3A_52 = arith.constant 0 : i32
      %ne3A_53 = arith.cmpi ne, %rem3A_51, %ne3A_52 : i32
      %lt3A = arith.constant 0 : i32
      %lt3A_54 = arith.cmpi slt, %rem3A_51, %lt3A : i32
      %lt3A_55 = arith.constant 0 : i32
      %lt3A_56 = arith.cmpi slt, %select_n3A_50, %lt3A_55 : i32
      %ne3A_57 = arith.xori %lt3A_54, %lt3A_56 : i1
      %and3A_58 = arith.andi %ne3A_57, %ne3A_53 : i1
      %add3A_59 = arith.addi %rem3A_51, %select_n3A_50 : i32
      %select_n3A_60 = arith.select %and3A_58, %add3A_59, %rem3A_51 : i32
      %mul3A_61 = arith.constant 16 : i32
      %mul3A_62 = arith.muli %select_n3A_60, %mul3A_61 : i32
      %broadcast_in_dim3A = arith.constant 0.000000e+00 : f32
      %broadcast_in_dim3A_63 = vector.broadcast %broadcast_in_dim3A : f32 to vector<16xf32>
      %swap3A = arith.index_cast %select_n3A : i32 to index
      %swap3A_64 = arith.index_cast %mul3A_62 : i32 to index
      %swap3A_65 = tpu.vector_load %arg9[%swap3A, %swap3A_64] {strides = array<i32>} : memref<16x128xf32, #tpu.memory_space<vmem>>, vector<1x16xf32>,
      %swap3A_66 = vector.shape_cast %swap3A_65 : vector<1x16xf32> to vector<16xf32>
      %swap3A_67 = vector.shape_cast %broadcast_in_dim3A_63 : vector<16xf32> to vector<1x16xf32>
      tpu.vector_store %arg9[%swap3A, %swap3A_64], %swap3A_67 {strides = array<i32>} : memref<16x128xf32, #tpu.memory_space<vmem>>, vector<1x16xf32>,
      %scan3A_68 = arith.constant 0 : i32
      scf.yield %scan3A_68 : i32
    }
    %scan3A_6 = arith.constant 128 : i32
    %scan3A_7 = arith.constant 0 : i32
    %scan3A_8 = arith.constant 0 : i32
    %scan3A_9 = arith.constant 40 : i32
    %scan3A_10 = arith.addi %scan3A_8, %scan3A_9 : i32
    %scan3A_11 = arith.constant 1 : i32
    %scan3A_12 = scf.for %scan3A_29 = %scan3A_8 to %scan3A_10 step %scan3A_11 iter_args(%scan3A_30 = %scan3A_7) -> (i32)  : i32 {
      %mul3A_31 = arith.constant 640 : i32
      %mul3A_32 = arith.muli %arg1, %mul3A_31 : i32
      %mul3A_33 = arith.constant 16 : i32
      %mul3A_34 = arith.muli %scan3A_29, %mul3A_33 : i32
      %add3A_35 = arith.addi %mul3A_32, %mul3A_34 : i32
      "tpu.region"() ({
        %run_scoped3A = tpu.sem_alloc : memref<!tpu.dma_semaphore, #tpu.memory_space<semaphore_mem>>
        %dma_start3A = arith.constant 0 : i32
        %dma_start3A_37 = tpu.memref_slice %arg11[%add3A_35, %dma_start3A] : memref<10240x128xf32, #tpu.memory_space<vmem_shared>> -> memref<16x128xf32, #tpu.memory_space<vmem_shared>>
        %dma_start3A_38 = arith.constant 0 : i32
        %dma_start3A_39 = tpu.memref_slice %arg11[%add3A_35, %dma_start3A_38] : memref<10240x128xf32, #tpu.memory_space<vmem_shared>> -> memref<16x128xf32, #tpu.memory_space<vmem_shared>>
        tpu.enqueue_dma source(%arg9 : memref<16x128xf32, #tpu.memory_space<vmem>>) target(%dma_start3A_39 : memref<16x128xf32, #tpu.memory_space<vmem_shared>>) target_semaphore(%run_scoped3A : memref<!tpu.dma_semaphore, #tpu.memory_space<semaphore_mem>>)
        %dma_wait3A = arith.constant 0 : i32
        %dma_wait3A_40 = tpu.memref_slice %arg11[%add3A_35, %dma_wait3A] : memref<10240x128xf32, #tpu.memory_space<vmem_shared>> -> memref<16x128xf32, #tpu.memory_space<vmem_shared>>
        %dma_wait3A_41 = arith.constant 0 : i32
        %dma_wait3A_42 = tpu.memref_slice %arg11[%add3A_35, %dma_wait3A_41] : memref<10240x128xf32, #tpu.memory_space<vmem_shared>> -> memref<16x128xf32, #tpu.memory_space<vmem_shared>>
        tpu.wait_dma2 semaphore(%run_scoped3A : memref<!tpu.dma_semaphore, #tpu.memory_space<semaphore_mem>>) src(%arg9 : memref<16x128xf32, #tpu.memory_space<vmem>>) dst(%dma_wait3A_42 : memref<16x128xf32, #tpu.memory_space<vmem_shared>>)
        tpu.yield
      }) : () -> ()
      %scan3A_36 = arith.constant 0 : i32
      scf.yield %scan3A_36 : i32
    }
    %scan3A_13 = arith.constant 40 : i32
    %barrier3A = arith.constant 0 : index
    tpu.barrier barrier_id(%barrier3A)
    %scan3A_14 = arith.constant 0 : i32
    %scan3A_15 = arith.constant 0 : i32
    %scan3A_16 = arith.constant 79 : i32
    %scan3A_17 = arith.addi %scan3A_15, %scan3A_16 : i32
    %scan3A_18 = arith.constant 1 : i32
    %scan3A_19 = scf.for %scan3A_29 = %scan3A_15 to %scan3A_17 step %scan3A_18 iter_args(%scan3A_30 = %scan3A_14) -> (i32)  : i32 {
      %mul3A_31 = arith.constant 10112 : i32
      %mul3A_32 = arith.muli %add3A, %mul3A_31 : i32
      %mul3A_33 = arith.constant 128 : i32
      %mul3A_34 = arith.muli %scan3A_29, %mul3A_33 : i32
      %add3A_35 = arith.addi %mul3A_32, %mul3A_34 : i32
      %multiple_of3A = tpu.assume_multiple %add3A_35, 8 : i32
      "tpu.region"() ({
        %run_scoped3A = tpu.sem_alloc : memref<!tpu.dma_semaphore, #tpu.memory_space<semaphore_mem>>
        %dma_start3A_41 = tpu.memref_slice %arg3[%multiple_of3A] : memref<323584xi32, #tpu.memory_space<hbm>> -> memref<128xi32, #tpu.memory_space<hbm>>
        %dma_start3A_42 = tpu.memref_slice %arg3[%multiple_of3A] : memref<323584xi32, #tpu.memory_space<hbm>> -> memref<128xi32, #tpu.memory_space<hbm>>
        tpu.enqueue_dma source(%dma_start3A_42 : memref<128xi32, #tpu.memory_space<hbm>>) target(%arg6 : memref<128xi32, #tpu.memory_space<vmem>>) target_semaphore(%run_scoped3A : memref<!tpu.dma_semaphore, #tpu.memory_space<semaphore_mem>>)
        %dma_wait3A_43 = tpu.memref_slice %arg3[%multiple_of3A] : memref<323584xi32, #tpu.memory_space<hbm>> -> memref<128xi32, #tpu.memory_space<hbm>>
        %dma_wait3A_44 = tpu.memref_slice %arg3[%multiple_of3A] : memref<323584xi32, #tpu.memory_space<hbm>> -> memref<128xi32, #tpu.memory_space<hbm>>
        tpu.wait_dma2 semaphore(%run_scoped3A : memref<!tpu.dma_semaphore, #tpu.memory_space<semaphore_mem>>) src(%dma_wait3A_44 : memref<128xi32, #tpu.memory_space<hbm>>) dst(%arg6 : memref<128xi32, #tpu.memory_space<vmem>>)
        tpu.yield
      }) : () -> ()
      "tpu.region"() ({
        %run_scoped3A = tpu.sem_alloc : memref<!tpu.dma_semaphore, #tpu.memory_space<semaphore_mem>>
        %dma_start3A_41 = tpu.memref_slice %arg4[%multiple_of3A] : memref<323584xi32, #tpu.memory_space<hbm>> -> memref<128xi32, #tpu.memory_space<hbm>>
        %dma_start3A_42 = tpu.memref_slice %arg4[%multiple_of3A] : memref<323584xi32, #tpu.memory_space<hbm>> -> memref<128xi32, #tpu.memory_space<hbm>>
        tpu.enqueue_dma source(%dma_start3A_42 : memref<128xi32, #tpu.memory_space<hbm>>) target(%arg7 : memref<128xi32, #tpu.memory_space<vmem>>) target_semaphore(%run_scoped3A : memref<!tpu.dma_semaphore, #tpu.memory_space<semaphore_mem>>)
        %dma_wait3A_43 = tpu.memref_slice %arg4[%multiple_of3A] : memref<323584xi32, #tpu.memory_space<hbm>> -> memref<128xi32, #tpu.memory_space<hbm>>
        %dma_wait3A_44 = tpu.memref_slice %arg4[%multiple_of3A] : memref<323584xi32, #tpu.memory_space<hbm>> -> memref<128xi32, #tpu.memory_space<hbm>>
        tpu.wait_dma2 semaphore(%run_scoped3A : memref<!tpu.dma_semaphore, #tpu.memory_space<semaphore_mem>>) src(%dma_wait3A_44 : memref<128xi32, #tpu.memory_space<hbm>>) dst(%arg7 : memref<128xi32, #tpu.memory_space<vmem>>)
        tpu.yield
      }) : () -> ()
      %dma_start3A = arith.constant 0 : i32
      %dma_start3A_36 = arith.constant 0 : i32
      %dma_start3A_37 = tpu.memref_slice %arg2[%dma_start3A, %dma_start3A_36] : memref<10000x128xf32, #tpu.memory_space<hbm>> -> memref<10000x128xf32, #tpu.memory_space<hbm>>
      tpu.enqueue_indirect_dma source(%dma_start3A_37 : memref<10000x128xf32, #tpu.memory_space<hbm>>) target(%arg8 : memref<128x128xf32, #tpu.memory_space<vmem>>) offsets(%arg6 : memref<128xi32, #tpu.memory_space<vmem>>) semaphore(%arg12 : memref<!tpu.dma_semaphore, #tpu.memory_space<semaphore_mem>>)
      %dma_wait3A = arith.constant 0 : i32
      %dma_wait3A_38 = arith.constant 0 : i32
      %dma_wait3A_39 = tpu.memref_slice %arg2[%dma_wait3A, %dma_wait3A_38] : memref<10000x128xf32, #tpu.memory_space<hbm>> -> memref<10000x128xf32, #tpu.memory_space<hbm>>
      tpu.wait_indirect_dma semaphore(%arg12 : memref<!tpu.dma_semaphore, #tpu.memory_space<semaphore_mem>>) src(%dma_wait3A_39 : memref<10000x128xf32, #tpu.memory_space<hbm>>) dst(%arg8 : memref<128x128xf32, #tpu.memory_space<vmem>>)
      "tpu.region"() ({
        %run_scoped3A = tpu.sem_alloc : memref<!tpu.dma_semaphore, #tpu.memory_space<semaphore_mem>>
        %dma_start3A_41 = arith.constant 0 : i32
        %dma_start3A_42 = arith.constant 0 : i32
        %dma_start3A_43 = tpu.memref_slice %arg11[%dma_start3A_41, %dma_start3A_42] : memref<10240x128xf32, #tpu.memory_space<vmem_shared>> -> memref<10240x128xf32, #tpu.memory_space<vmem_shared>>
        tpu.enqueue_indirect_dma source(%arg8 : memref<128x128xf32, #tpu.memory_space<vmem>>) target(%dma_start3A_43 : memref<10240x128xf32, #tpu.memory_space<vmem_shared>>) offsets(%arg7 : memref<128xi32, #tpu.memory_space<vmem>>) semaphore(%run_scoped3A : memref<!tpu.dma_semaphore, #tpu.memory_space<semaphore_mem>>) {add = true}
        %dma_wait3A_44 = arith.constant 0 : i32
        %dma_wait3A_45 = arith.constant 0 : i32
        %dma_wait3A_46 = tpu.memref_slice %arg11[%dma_wait3A_44, %dma_wait3A_45] : memref<10240x128xf32, #tpu.memory_space<vmem_shared>> -> memref<10240x128xf32, #tpu.memory_space<vmem_shared>>
        tpu.wait_indirect_dma semaphore(%run_scoped3A : memref<!tpu.dma_semaphore, #tpu.memory_space<semaphore_mem>>) src(%arg8 : memref<128x128xf32, #tpu.memory_space<vmem>>) dst(%dma_wait3A_46 : memref<10240x128xf32, #tpu.memory_space<vmem_shared>>)
        tpu.yield
      }) : () -> ()
      %scan3A_40 = arith.constant 0 : i32
      scf.yield %scan3A_40 : i32
    }
    %scan3A_20 = arith.constant 79 : i32
    %barrier3A_21 = arith.constant 0 : index
    tpu.barrier barrier_id(%barrier3A_21)
    %scan3A_22 = arith.constant 0 : i32
    %scan3A_23 = arith.constant 0 : i32
    %scan3A_24 = arith.constant 5 : i32
    %scan3A_25 = arith.addi %scan3A_23, %scan3A_24 : i32
    %scan3A_26 = arith.constant 1 : i32
    %scan3A_27 = scf.for %scan3A_29 = %scan3A_23 to %scan3A_25 step %scan3A_26 iter_args(%scan3A_30 = %scan3A_22) -> (i32)  : i32 {
      %mul3A_31 = arith.constant 640 : i32
      %mul3A_32 = arith.muli %arg1, %mul3A_31 : i32
      %mul3A_33 = arith.constant 128 : i32
      %mul3A_34 = arith.muli %scan3A_29, %mul3A_33 : i32
      %add3A_35 = arith.addi %mul3A_32, %mul3A_34 : i32
      "tpu.region"() ({
        %run_scoped3A = tpu.sem_alloc : memref<!tpu.dma_semaphore, #tpu.memory_space<semaphore_mem>>
        %dma_start3A = arith.constant 0 : i32
        %dma_start3A_37 = tpu.memref_slice %arg11[%add3A_35, %dma_start3A] : memref<10240x128xf32, #tpu.memory_space<vmem_shared>> -> memref<128x128xf32, #tpu.memory_space<vmem_shared>>
        %dma_start3A_38 = arith.constant 0 : i32
        %dma_start3A_39 = tpu.memref_slice %arg11[%add3A_35, %dma_start3A_38] : memref<10240x128xf32, #tpu.memory_space<vmem_shared>> -> memref<128x128xf32, #tpu.memory_space<vmem_shared>>
        tpu.enqueue_dma source(%dma_start3A_39 : memref<128x128xf32, #tpu.memory_space<vmem_shared>>) target(%arg10 : memref<128x128xf32, #tpu.memory_space<vmem>>) target_semaphore(%run_scoped3A : memref<!tpu.dma_semaphore, #tpu.memory_space<semaphore_mem>>)
        %dma_wait3A = arith.constant 0 : i32
        %dma_wait3A_40 = tpu.memref_slice %arg11[%add3A_35, %dma_wait3A] : memref<10240x128xf32, #tpu.memory_space<vmem_shared>> -> memref<128x128xf32, #tpu.memory_space<vmem_shared>>
        %dma_wait3A_41 = arith.constant 0 : i32
        %dma_wait3A_42 = tpu.memref_slice %arg11[%add3A_35, %dma_wait3A_41] : memref<10240x128xf32, #tpu.memory_space<vmem_shared>> -> memref<128x128xf32, #tpu.memory_space<vmem_shared>>
        tpu.wait_dma2 semaphore(%run_scoped3A : memref<!tpu.dma_semaphore, #tpu.memory_space<semaphore_mem>>) src(%dma_wait3A_42 : memref<128x128xf32, #tpu.memory_space<vmem_shared>>) dst(%arg10 : memref<128x128xf32, #tpu.memory_space<vmem>>)
        tpu.yield
      }) : () -> ()
      "tpu.region"() ({
        %run_scoped3A = tpu.sem_alloc : memref<!tpu.dma_semaphore, #tpu.memory_space<semaphore_mem>>
        %dma_start3A = arith.constant 0 : i32
        %dma_start3A_37 = tpu.memref_slice %arg5[%arg0, %add3A_35, %dma_start3A] : memref<2x10240x128xf32, #tpu.memory_space<hbm>> -> memref<1x128x128xf32, #tpu.memory_space<hbm>>
        %dma_start3A_38 = tpu.memref_squeeze %dma_start3A_37 : memref<1x128x128xf32, #tpu.memory_space<hbm>> -> memref<128x128xf32, #tpu.memory_space<hbm>>
        %dma_start3A_39 = arith.constant 0 : i32
        %dma_start3A_40 = tpu.memref_slice %arg5[%arg0, %add3A_35, %dma_start3A_39] : memref<2x10240x128xf32, #tpu.memory_space<hbm>> -> memref<1x128x128xf32, #tpu.memory_space<hbm>>
        %dma_start3A_41 = tpu.memref_squeeze %dma_start3A_40 : memref<1x128x128xf32, #tpu.memory_space<hbm>> -> memref<128x128xf32, #tpu.memory_space<hbm>>
        tpu.enqueue_dma source(%arg10 : memref<128x128xf32, #tpu.memory_space<vmem>>) target(%dma_start3A_41 : memref<128x128xf32, #tpu.memory_space<hbm>>) target_semaphore(%run_scoped3A : memref<!tpu.dma_semaphore, #tpu.memory_space<semaphore_mem>>)
        %dma_wait3A = arith.constant 0 : i32
        %dma_wait3A_42 = tpu.memref_slice %arg5[%arg0, %add3A_35, %dma_wait3A] : memref<2x10240x128xf32, #tpu.memory_space<hbm>> -> memref<1x128x128xf32, #tpu.memory_space<hbm>>
        %dma_wait3A_43 = tpu.memref_squeeze %dma_wait3A_42 : memref<1x128x128xf32, #tpu.memory_space<hbm>> -> memref<128x128xf32, #tpu.memory_space<hbm>>
        %dma_wait3A_44 = arith.constant 0 : i32
        %dma_wait3A_45 = tpu.memref_slice %arg5[%arg0, %add3A_35, %dma_wait3A_44] : memref<2x10240x128xf32, #tpu.memory_space<hbm>> -> memref<1x128x128xf32, #tpu.memory_space<hbm>>
        %dma_wait3A_46 = tpu.memref_squeeze %dma_wait3A_45 : memref<1x128x128xf32, #tpu.memory_space<hbm>> -> memref<128x128xf32, #tpu.memory_space<hbm>>
        tpu.wait_dma2 semaphore(%run_scoped3A : memref<!tpu.dma_semaphore, #tpu.memory_space<semaphore_mem>>) src(%arg10 : memref<128x128xf32, #tpu.memory_space<vmem>>) dst(%dma_wait3A_46 : memref<128x128xf32, #tpu.memory_space<hbm>>)
        tpu.yield
      }) : () -> ()
      %scan3A_36 = arith.constant 0 : i32
      scf.yield %scan3A_36 : i32
    }
    %scan3A_28 = arith.constant 5 : i32
    return
  }
}

module attributes {stable_mosaic.version = 14 : i64} {
  func.func @_tcmid_body(%arg0: i32, %arg1: memref<2x1000x128xf32, #tpu.memory_space<vmem>>, %arg2: memref<1000x128xf32, #tpu.memory_space<vmem>>, %arg3: memref<1000x1xf32, #tpu.memory_space<vmem>>, %arg4: memref<1x128xf32, #tpu.memory_space<vmem>>, %arg5: memref<128x128xf32, #tpu.memory_space<vmem>>, %arg6: memref<1000x128xf32, #tpu.memory_space<vmem>>) attributes {dimension_semantics = [#tpu.dimension_semantics<arbitrary>], iteration_bounds = array<i64: 10>, scalar_prefetch = 0 : i64, scratch_operands = 0 : i64, tpu.core_type = #tpu.core_type<tc>, window_params = [{transform_indices = @transform_0, window_bounds = array<i64: 2, 1000, 128>}, {transform_indices = @transform_1, window_bounds = array<i64: 1000, 128>}, {transform_indices = @transform_2, window_bounds = array<i64: 1000, 1>}, {pipeline_mode = #tpu.pipeline_mode<synchronous>, transform_indices = @transform_3, window_bounds = array<i64: 1, 128>}, {pipeline_mode = #tpu.pipeline_mode<synchronous>, transform_indices = @transform_4, window_bounds = array<i64: 128, 128>}, {transform_indices = @transform_5, window_bounds = array<i64: 1000, 128>}]} {
    %get3A = arith.constant 0 : index
    %get3A_0 = arith.constant 0 : index
    %get3A_1 = vector.load %arg3[%get3A, %get3A_0] : memref<1000x1xf32, #tpu.memory_space<vmem>>, vector<1000x1xf32>
    %get3A_2 = arith.constant 0 : index
    %get3A_3 = arith.constant 0 : index
    %get3A_4 = arith.constant 0 : index
    %get3A_5 = vector.load %arg1[%get3A_2, %get3A_3, %get3A_4] : memref<2x1000x128xf32, #tpu.memory_space<vmem>>, vector<1x1000x128xf32>
    %get3A_6 = vector.shape_cast %get3A_5 : vector<1x1000x128xf32> to vector<1000x128xf32>
    %get3A_7 = arith.constant 1 : index
    %get3A_8 = arith.constant 0 : index
    %get3A_9 = arith.constant 0 : index
    %get3A_10 = vector.load %arg1[%get3A_7, %get3A_8, %get3A_9] : memref<2x1000x128xf32, #tpu.memory_space<vmem>>, vector<1x1000x128xf32>
    %get3A_11 = vector.shape_cast %get3A_10 : vector<1x1000x128xf32> to vector<1000x128xf32>
    %add3A = arith.addf %get3A_6, %get3A_11 : vector<1000x128xf32>
    %get3A_12 = arith.constant 0 : index
    %get3A_13 = arith.constant 0 : index
    %get3A_14 = vector.load %arg2[%get3A_12, %get3A_13] : memref<1000x128xf32, #tpu.memory_space<vmem>>, vector<1000x128xf32>
    %add3A_15 = arith.addf %add3A, %get3A_14 : vector<1000x128xf32>
    %mul3A = vector.broadcast %get3A_1 : vector<1000x1xf32> to vector<1000x128xf32>
    %mul3A_16 = arith.mulf %add3A_15, %mul3A : vector<1000x128xf32>
    %get3A_17 = arith.constant 0 : index
    %get3A_18 = arith.constant 0 : index
    %get3A_19 = vector.load %arg4[%get3A_17, %get3A_18] : memref<1x128xf32, #tpu.memory_space<vmem>>, vector<1x128xf32>
    %add3A_20 = vector.broadcast %get3A_19 : vector<1x128xf32> to vector<1000x128xf32>
    %add3A_21 = arith.addf %mul3A_16, %add3A_20 : vector<1000x128xf32>
    %max3A = arith.constant 0.000000e+00 : f32
    %max3A_22 = vector.broadcast %max3A : f32 to vector<1000x128xf32>
    %max3A_23 = arith.maximumf %add3A_21, %max3A_22 : vector<1000x128xf32>
    %get3A_24 = arith.constant 0 : index
    %get3A_25 = arith.constant 0 : index
    %get3A_26 = vector.load %arg5[%get3A_24, %get3A_25] : memref<128x128xf32, #tpu.memory_space<vmem>>, vector<128x128xf32>
    %dot_general3A = arith.constant dense<0.000000e+00> : vector<1000x128xf32>
    %dot_general3A_27 = tpu.matmul %max3A_23, %get3A_26, %dot_general3A {dimension_numbers = #tpu.dot_dimension_numbers<[1], [0], [0], [1], [0, 0, 1, 1], [], []>, transpose_lhs_hint = false} : vector<1000x128xf32>, vector<128x128xf32>, vector<1000x128xf32> -> vector<1000x128xf32>
    %mul3A_28 = vector.broadcast %get3A_1 : vector<1000x1xf32> to vector<1000x128xf32>
    %mul3A_29 = arith.mulf %dot_general3A_27, %mul3A_28 : vector<1000x128xf32>
    %swap3A = arith.constant 0 : index
    %swap3A_30 = arith.constant 0 : index
    %swap3A_31 = vector.load %arg6[%swap3A, %swap3A_30] : memref<1000x128xf32, #tpu.memory_space<vmem>>, vector<1000x128xf32>
    tpu.vector_store %arg6[%swap3A, %swap3A_30], %mul3A_29 {strides = array<i32>} : memref<1000x128xf32, #tpu.memory_space<vmem>>, vector<1000x128xf32>,
    return
  }
  func.func @transform_0(%arg0: i32) -> (i32, i32, i32) {
    %c0_i32 = arith.constant 0 : i32
    %c0_i32_0 = arith.constant 0 : i32
    %c0_i32_1 = arith.constant 0 : i32
    return %c0_i32, %arg0, %c0_i32_0 : i32, i32, i32
  }
  func.func @transform_1(%arg0: i32) -> (i32, i32) {
    %c0_i32 = arith.constant 0 : i32
    %c0_i32_0 = arith.constant 0 : i32
    return %arg0, %c0_i32 : i32, i32
  }
  func.func @transform_2(%arg0: i32) -> (i32, i32) {
    %c0_i32 = arith.constant 0 : i32
    %c0_i32_0 = arith.constant 0 : i32
    return %arg0, %c0_i32 : i32, i32
  }
  func.func @transform_3(%arg0: i32) -> (i32, i32) {
    %c0_i32 = arith.constant 0 : i32
    %c0_i32_0 = arith.constant 0 : i32
    %c0_i32_1 = arith.constant 0 : i32
    return %c0_i32, %c0_i32_0 : i32, i32
  }
  func.func @transform_4(%arg0: i32) -> (i32, i32) {
    %c0_i32 = arith.constant 0 : i32
    %c0_i32_0 = arith.constant 0 : i32
    %c0_i32_1 = arith.constant 0 : i32
    return %c0_i32, %c0_i32_0 : i32, i32
  }
  func.func @transform_5(%arg0: i32) -> (i32, i32) {
    %c0_i32 = arith.constant 0 : i32
    %c0_i32_0 = arith.constant 0 : i32
    return %arg0, %c0_i32 : i32, i32
  }
}

module attributes {stable_mosaic.version = 14 : i64} {
  func.func @_tc1_body(%arg0: i32, %arg1: memref<1000x128xf32, #tpu.memory_space<vmem>>, %arg2: memref<128x128xf32, #tpu.memory_space<vmem>>, %arg3: memref<2x1000x128xf32, #tpu.memory_space<vmem>>, %arg4: memref<1000x128xf32, #tpu.memory_space<vmem>>, %arg5: memref<1000x1xf32, #tpu.memory_space<vmem>>) attributes {dimension_semantics = [#tpu.dimension_semantics<arbitrary>], iteration_bounds = array<i64: 10>, scalar_prefetch = 0 : i64, scratch_operands = 0 : i64, tpu.core_type = #tpu.core_type<tc>, window_params = [{transform_indices = @transform_0, window_bounds = array<i64: 1000, 128>}, {pipeline_mode = #tpu.pipeline_mode<synchronous>, transform_indices = @transform_1, window_bounds = array<i64: 128, 128>}, {transform_indices = @transform_2, window_bounds = array<i64: 2, 1000, 128>}, {transform_indices = @transform_3, window_bounds = array<i64: 1000, 128>}, {transform_indices = @transform_4, window_bounds = array<i64: 1000, 1>}]} {
    %get3A = arith.constant 0 : index
    %get3A_0 = arith.constant 0 : index
    %get3A_1 = arith.constant 0 : index
    %get3A_2 = vector.load %arg3[%get3A, %get3A_0, %get3A_1] : memref<2x1000x128xf32, #tpu.memory_space<vmem>>, vector<1x1000x1xf32>
    %get3A_3 = vector.shape_cast %get3A_2 : vector<1x1000x1xf32> to vector<1000x1xf32>
    %get3A_4 = arith.constant 1 : index
    %get3A_5 = arith.constant 0 : index
    %get3A_6 = arith.constant 0 : index
    %get3A_7 = vector.load %arg3[%get3A_4, %get3A_5, %get3A_6] : memref<2x1000x128xf32, #tpu.memory_space<vmem>>, vector<1x1000x1xf32>
    %get3A_8 = vector.shape_cast %get3A_7 : vector<1x1000x1xf32> to vector<1000x1xf32>
    %add3A = arith.addf %get3A_3, %get3A_8 : vector<1000x1xf32>
    %add3A_9 = arith.constant 1.000000e+00 : f32
    %add3A_10 = vector.broadcast %add3A_9 : f32 to vector<1000x1xf32>
    %add3A_11 = arith.addf %add3A, %add3A_10 : vector<1000x1xf32>
    %rsqrt3A = math.rsqrt %add3A_11 : vector<1000x1xf32>
    %get3A_12 = arith.constant 0 : index
    %get3A_13 = arith.constant 0 : index
    %get3A_14 = vector.load %arg1[%get3A_12, %get3A_13] : memref<1000x128xf32, #tpu.memory_space<vmem>>, vector<1000x128xf32>
    %get3A_15 = arith.constant 0 : index
    %get3A_16 = arith.constant 0 : index
    %get3A_17 = vector.load %arg2[%get3A_15, %get3A_16] : memref<128x128xf32, #tpu.memory_space<vmem>>, vector<128x128xf32>
    %dot_general3A = arith.constant dense<0.000000e+00> : vector<1000x128xf32>
    %dot_general3A_18 = tpu.matmul %get3A_14, %get3A_17, %dot_general3A {dimension_numbers = #tpu.dot_dimension_numbers<[1], [0], [0], [1], [0, 0, 1, 1], [], []>, transpose_lhs_hint = false} : vector<1000x128xf32>, vector<128x128xf32>, vector<1000x128xf32> -> vector<1000x128xf32>
    %mul3A = vector.broadcast %rsqrt3A : vector<1000x1xf32> to vector<1000x128xf32>
    %mul3A_19 = arith.mulf %dot_general3A_18, %mul3A : vector<1000x128xf32>
    %swap3A = arith.constant 0 : index
    %swap3A_20 = arith.constant 0 : index
    %swap3A_21 = vector.load %arg4[%swap3A, %swap3A_20] : memref<1000x128xf32, #tpu.memory_space<vmem>>, vector<1000x128xf32>
    tpu.vector_store %arg4[%swap3A, %swap3A_20], %mul3A_19 {strides = array<i32>} : memref<1000x128xf32, #tpu.memory_space<vmem>>, vector<1000x128xf32>,
    %swap3A_22 = arith.constant 0 : index
    %swap3A_23 = arith.constant 0 : index
    %swap3A_24 = vector.load %arg5[%swap3A_22, %swap3A_23] : memref<1000x1xf32, #tpu.memory_space<vmem>>, vector<1000x1xf32>
    tpu.vector_store %arg5[%swap3A_22, %swap3A_23], %rsqrt3A {strides = array<i32>} : memref<1000x1xf32, #tpu.memory_space<vmem>>, vector<1000x1xf32>,
    return
  }
  func.func @transform_0(%arg0: i32) -> (i32, i32) {
    %c0_i32 = arith.constant 0 : i32
    %c0_i32_0 = arith.constant 0 : i32
    return %arg0, %c0_i32 : i32, i32
  }
  func.func @transform_1(%arg0: i32) -> (i32, i32) {
    %c0_i32 = arith.constant 0 : i32
    %c0_i32_0 = arith.constant 0 : i32
    %c0_i32_1 = arith.constant 0 : i32
    return %c0_i32, %c0_i32_0 : i32, i32
  }
  func.func @transform_2(%arg0: i32) -> (i32, i32, i32) {
    %c0_i32 = arith.constant 0 : i32
    %c0_i32_0 = arith.constant 0 : i32
    %c0_i32_1 = arith.constant 0 : i32
    return %c0_i32, %arg0, %c0_i32_0 : i32, i32, i32
  }
  func.func @transform_3(%arg0: i32) -> (i32, i32) {
    %c0_i32 = arith.constant 0 : i32
    %c0_i32_0 = arith.constant 0 : i32
    return %arg0, %c0_i32 : i32, i32
  }
  func.func @transform_4(%arg0: i32) -> (i32, i32) {
    %c0_i32 = arith.constant 0 : i32
    %c0_i32_0 = arith.constant 0 : i32
    return %arg0, %c0_i32 : i32, i32
  }
}

module attributes {stable_mosaic.version = 14 : i64} {
  func.func @_tcfin_body(%arg0: i32, %arg1: memref<2x1000x128xf32, #tpu.memory_space<vmem>>, %arg2: memref<1000x128xf32, #tpu.memory_space<vmem>>, %arg3: memref<1000x1xf32, #tpu.memory_space<vmem>>, %arg4: memref<1x128xf32, #tpu.memory_space<vmem>>, %arg5: memref<1000x1xi32, #tpu.memory_space<vmem>>, %arg6: memref<128x128xf32, #tpu.memory_space<vmem>>, %arg7: memref<1x128xf32, #tpu.memory_space<vmem>>, %arg8: memref<128x128xf32, #tpu.memory_space<vmem>>, %arg9: memref<128x128xf32, #tpu.memory_space<vmem>>, %arg10: memref<128x1xf32, #tpu.memory_space<vmem>>) attributes {dimension_semantics = [#tpu.dimension_semantics<arbitrary>], iteration_bounds = array<i64: 10>, scalar_prefetch = 0 : i64, scratch_operands = 2 : i64, tpu.core_type = #tpu.core_type<tc>, window_params = [{transform_indices = @transform_0, window_bounds = array<i64: 2, 1000, 128>}, {transform_indices = @transform_1, window_bounds = array<i64: 1000, 128>}, {transform_indices = @transform_2, window_bounds = array<i64: 1000, 1>}, {pipeline_mode = #tpu.pipeline_mode<synchronous>, transform_indices = @transform_3, window_bounds = array<i64: 1, 128>}, {transform_indices = @transform_4, window_bounds = array<i64: 1000, 1>}, {pipeline_mode = #tpu.pipeline_mode<synchronous>, transform_indices = @transform_5, window_bounds = array<i64: 128, 128>}, {pipeline_mode = #tpu.pipeline_mode<synchronous>, transform_indices = @transform_6, window_bounds = array<i64: 1, 128>}, {pipeline_mode = #tpu.pipeline_mode<synchronous>, transform_indices = @transform_7, window_bounds = array<i64: 128, 128>}]} {
    %eq3A = arith.constant 0 : i32
    %eq3A_0 = arith.cmpi eq, %arg0, %eq3A : i32
    %convert_element_type3A = arith.extui %eq3A_0 : i1 to i32
    %cond3A = arith.constant 0 : i32
    %cond3A_1 = arith.cmpi ne, %convert_element_type3A, %cond3A : i32
    scf.if %cond3A_1 {
      %broadcast_in_dim3A_53 = arith.constant 0.000000e+00 : f32
      %broadcast_in_dim3A_54 = vector.broadcast %broadcast_in_dim3A_53 : f32 to vector<128x128xf32>
      %swap3A_55 = arith.constant 0 : index
      %swap3A_56 = arith.constant 0 : index
      %swap3A_57 = vector.load %arg9[%swap3A_55, %swap3A_56] : memref<128x128xf32, #tpu.memory_space<vmem>>, vector<128x128xf32>
      tpu.vector_store %arg9[%swap3A_55, %swap3A_56], %broadcast_in_dim3A_54 {strides = array<i32>} : memref<128x128xf32, #tpu.memory_space<vmem>>, vector<128x128xf32>,
      %broadcast_in_dim3A_58 = arith.constant 0.000000e+00 : f32
      %broadcast_in_dim3A_59 = vector.broadcast %broadcast_in_dim3A_58 : f32 to vector<128x1xf32>
      %swap3A_60 = arith.constant 0 : index
      %swap3A_61 = arith.constant 0 : index
      %swap3A_62 = vector.load %arg10[%swap3A_60, %swap3A_61] : memref<128x1xf32, #tpu.memory_space<vmem>>, vector<128x1xf32>
      tpu.vector_store %arg10[%swap3A_60, %swap3A_61], %broadcast_in_dim3A_59 {strides = array<i32>} : memref<128x1xf32, #tpu.memory_space<vmem>>, vector<128x1xf32>,
    } else {
    }
    %get3A = arith.constant 0 : index
    %get3A_2 = arith.constant 0 : index
    %get3A_3 = arith.constant 0 : index
    %get3A_4 = vector.load %arg1[%get3A, %get3A_2, %get3A_3] : memref<2x1000x128xf32, #tpu.memory_space<vmem>>, vector<1x1000x128xf32>
    %get3A_5 = vector.shape_cast %get3A_4 : vector<1x1000x128xf32> to vector<1000x128xf32>
    %get3A_6 = arith.constant 1 : index
    %get3A_7 = arith.constant 0 : index
    %get3A_8 = arith.constant 0 : index
    %get3A_9 = vector.load %arg1[%get3A_6, %get3A_7, %get3A_8] : memref<2x1000x128xf32, #tpu.memory_space<vmem>>, vector<1x1000x128xf32>
    %get3A_10 = vector.shape_cast %get3A_9 : vector<1x1000x128xf32> to vector<1000x128xf32>
    %add3A = arith.addf %get3A_5, %get3A_10 : vector<1000x128xf32>
    %get3A_11 = arith.constant 0 : index
    %get3A_12 = arith.constant 0 : index
    %get3A_13 = vector.load %arg2[%get3A_11, %get3A_12] : memref<1000x128xf32, #tpu.memory_space<vmem>>, vector<1000x128xf32>
    %add3A_14 = arith.addf %add3A, %get3A_13 : vector<1000x128xf32>
    %get3A_15 = arith.constant 0 : index
    %get3A_16 = arith.constant 0 : index
    %get3A_17 = vector.load %arg3[%get3A_15, %get3A_16] : memref<1000x1xf32, #tpu.memory_space<vmem>>, vector<1000x1xf32>
    %mul3A = vector.broadcast %get3A_17 : vector<1000x1xf32> to vector<1000x128xf32>
    %mul3A_18 = arith.mulf %add3A_14, %mul3A : vector<1000x128xf32>
    %get3A_19 = arith.constant 0 : index
    %get3A_20 = arith.constant 0 : index
    %get3A_21 = vector.load %arg4[%get3A_19, %get3A_20] : memref<1x128xf32, #tpu.memory_space<vmem>>, vector<1x128xf32>
    %add3A_22 = vector.broadcast %get3A_21 : vector<1x128xf32> to vector<1000x128xf32>
    %add3A_23 = arith.addf %mul3A_18, %add3A_22 : vector<1000x128xf32>
    %iota3A = tpu.iota {dimensions = array<i32: 1>} : vector<1000x128xi32>
    %get3A_24 = arith.constant 0 : index
    %get3A_25 = arith.constant 0 : index
    %get3A_26 = vector.load %arg5[%get3A_24, %get3A_25] : memref<1000x1xi32, #tpu.memory_space<vmem>>, vector<1000x1xi32>
    %eq3A_27 = vector.broadcast %get3A_26 : vector<1000x1xi32> to vector<1000x128xi32>
    %eq3A_28 = arith.cmpi eq, %iota3A, %eq3A_27 : vector<1000x128xi32>
    %convert_element_type3A_29 = arith.extui %eq3A_28 : vector<1000x128xi1> to vector<1000x128xi32>
    %convert_element_type3A_30 = arith.sitofp %convert_element_type3A_29 : vector<1000x128xi32> to vector<1000x128xf32>
    %get3A_31 = arith.constant 0 : index
    %get3A_32 = arith.constant 0 : index
    %get3A_33 = vector.load %arg9[%get3A_31, %get3A_32] : memref<128x128xf32, #tpu.memory_space<vmem>>, vector<128x128xf32>
    %dot_general3A = arith.constant dense<0.000000e+00> : vector<128x128xf32>
    %dot_general3A_34 = tpu.matmul %convert_element_type3A_30, %add3A_23, %dot_general3A {dimension_numbers = #tpu.dot_dimension_numbers<[0], [0], [1], [1], [0, 1, 1, 1], [], []>, transpose_lhs_hint = false} : vector<1000x128xf32>, vector<1000x128xf32>, vector<128x128xf32> -> vector<128x128xf32>
    %add3A_35 = arith.addf %get3A_33, %dot_general3A_34 : vector<128x128xf32>
    %swap3A = arith.constant 0 : index
    %swap3A_36 = arith.constant 0 : index
    %swap3A_37 = vector.load %arg9[%swap3A, %swap3A_36] : memref<128x128xf32, #tpu.memory_space<vmem>>, vector<128x128xf32>
    tpu.vector_store %arg9[%swap3A, %swap3A_36], %add3A_35 {strides = array<i32>} : memref<128x128xf32, #tpu.memory_space<vmem>>, vector<128x128xf32>,
    %get3A_38 = arith.constant 0 : index
    %get3A_39 = arith.constant 0 : index
    %get3A_40 = vector.load %arg10[%get3A_38, %get3A_39] : memref<128x1xf32, #tpu.memory_space<vmem>>, vector<128x1xf32>
    %broadcast_in_dim3A = arith.constant 1.000000e+00 : f32
    %broadcast_in_dim3A_41 = vector.broadcast %broadcast_in_dim3A : f32 to vector<1000x1xf32>
    %dot_general3A_42 = arith.constant dense<0.000000e+00> : vector<128x1xf32>
    %dot_general3A_43 = tpu.matmul %convert_element_type3A_30, %broadcast_in_dim3A_41, %dot_general3A_42 {dimension_numbers = #tpu.dot_dimension_numbers<[0], [0], [1], [1], [0, 1, 1, 1], [], []>, transpose_lhs_hint = false} : vector<1000x128xf32>, vector<1000x1xf32>, vector<128x1xf32> -> vector<128x1xf32>
    %add3A_44 = arith.addf %get3A_40, %dot_general3A_43 : vector<128x1xf32>
    %swap3A_45 = arith.constant 0 : index
    %swap3A_46 = arith.constant 0 : index
    %swap3A_47 = vector.load %arg10[%swap3A_45, %swap3A_46] : memref<128x1xf32, #tpu.memory_space<vmem>>, vector<128x1xf32>
    tpu.vector_store %arg10[%swap3A_45, %swap3A_46], %add3A_44 {strides = array<i32>} : memref<128x1xf32, #tpu.memory_space<vmem>>, vector<128x1xf32>,
    %eq3A_48 = arith.constant 9 : i32
    %eq3A_49 = arith.cmpi eq, %arg0, %eq3A_48 : i32
    %convert_element_type3A_50 = arith.extui %eq3A_49 : i1 to i32
    %cond3A_51 = arith.constant 0 : i32
    %cond3A_52 = arith.cmpi ne, %convert_element_type3A_50, %cond3A_51 : i32
    scf.if %cond3A_52 {
      %get3A_53 = arith.constant 0 : index
      %get3A_54 = arith.constant 0 : index
      %get3A_55 = vector.load %arg9[%get3A_53, %get3A_54] : memref<128x128xf32, #tpu.memory_space<vmem>>, vector<128x128xf32>
      %get3A_56 = arith.constant 0 : index
      %get3A_57 = arith.constant 0 : index
      %get3A_58 = vector.load %arg10[%get3A_56, %get3A_57] : memref<128x1xf32, #tpu.memory_space<vmem>>, vector<128x1xf32>
      %max3A = arith.constant 1.000000e+00 : f32
      %max3A_59 = vector.broadcast %max3A : f32 to vector<128x1xf32>
      %max3A_60 = arith.maximumf %get3A_58, %max3A_59 : vector<128x1xf32>
      %div3A = vector.broadcast %max3A_60 : vector<128x1xf32> to vector<128x128xf32>
      %div3A_61 = arith.divf %get3A_55, %div3A : vector<128x128xf32>
      %get3A_62 = arith.constant 0 : index
      %get3A_63 = arith.constant 0 : index
      %get3A_64 = vector.load %arg6[%get3A_62, %get3A_63] : memref<128x128xf32, #tpu.memory_space<vmem>>, vector<128x128xf32>
      %dot_general3A_65 = arith.constant dense<0.000000e+00> : vector<128x128xf32>
      %dot_general3A_66 = tpu.matmul %div3A_61, %get3A_64, %dot_general3A_65 {dimension_numbers = #tpu.dot_dimension_numbers<[1], [0], [0], [1], [0, 0, 1, 1], [], []>, transpose_lhs_hint = false} : vector<128x128xf32>, vector<128x128xf32>, vector<128x128xf32> -> vector<128x128xf32>
      %get3A_67 = arith.constant 0 : index
      %get3A_68 = arith.constant 0 : index
      %get3A_69 = vector.load %arg7[%get3A_67, %get3A_68] : memref<1x128xf32, #tpu.memory_space<vmem>>, vector<1x128xf32>
      %add3A_70 = vector.broadcast %get3A_69 : vector<1x128xf32> to vector<128x128xf32>
      %add3A_71 = arith.addf %dot_general3A_66, %add3A_70 : vector<128x128xf32>
      %swap3A_72 = arith.constant 0 : index
      %swap3A_73 = arith.constant 0 : index
      %swap3A_74 = vector.load %arg8[%swap3A_72, %swap3A_73] : memref<128x128xf32, #tpu.memory_space<vmem>>, vector<128x128xf32>
      tpu.vector_store %arg8[%swap3A_72, %swap3A_73], %add3A_71 {strides = array<i32>} : memref<128x128xf32, #tpu.memory_space<vmem>>, vector<128x128xf32>,
    } else {
    }
    return
  }
  func.func @transform_0(%arg0: i32) -> (i32, i32, i32) {
    %c0_i32 = arith.constant 0 : i32
    %c0_i32_0 = arith.constant 0 : i32
    %c0_i32_1 = arith.constant 0 : i32
    return %c0_i32, %arg0, %c0_i32_0 : i32, i32, i32
  }
  func.func @transform_1(%arg0: i32) -> (i32, i32) {
    %c0_i32 = arith.constant 0 : i32
    %c0_i32_0 = arith.constant 0 : i32
    return %arg0, %c0_i32 : i32, i32
  }
  func.func @transform_2(%arg0: i32) -> (i32, i32) {
    %c0_i32 = arith.constant 0 : i32
    %c0_i32_0 = arith.constant 0 : i32
    return %arg0, %c0_i32 : i32, i32
  }
  func.func @transform_3(%arg0: i32) -> (i32, i32) {
    %c0_i32 = arith.constant 0 : i32
    %c0_i32_0 = arith.constant 0 : i32
    %c0_i32_1 = arith.constant 0 : i32
    return %c0_i32, %c0_i32_0 : i32, i32
  }
  func.func @transform_4(%arg0: i32) -> (i32, i32) {
    %c0_i32 = arith.constant 0 : i32
    %c0_i32_0 = arith.constant 0 : i32
    return %arg0, %c0_i32 : i32, i32
  }
  func.func @transform_5(%arg0: i32) -> (i32, i32) {
    %c0_i32 = arith.constant 0 : i32
    %c0_i32_0 = arith.constant 0 : i32
    %c0_i32_1 = arith.constant 0 : i32
    return %c0_i32, %c0_i32_0 : i32, i32
  }
  func.func @transform_6(%arg0: i32) -> (i32, i32) {
    %c0_i32 = arith.constant 0 : i32
    %c0_i32_0 = arith.constant 0 : i32
    %c0_i32_1 = arith.constant 0 : i32
    return %c0_i32, %c0_i32_0 : i32, i32
  }
  func.func @transform_7(%arg0: i32) -> (i32, i32) {
    %c0_i32 = arith.constant 0 : i32
    %c0_i32_0 = arith.constant 0 : i32
    %c0_i32_1 = arith.constant 0 : i32
    return %c0_i32, %c0_i32_0 : i32, i32
  }
}

</mosaic_0001>

<sc_bundles>
// kernel: kernel.10.cloned.1.call-start
scs
__scs_entry_jumppad:
0x0: {  	(pc) =	sbr.rel $0x88, $3  }
0x1: {  	(tag) =	ssettag $0x0;
	lr =	simm.s32 $0x1  }
0x2: {  	[smem:$0x3F96] =	sst lr;
	_ =	strace $0xD0000000  }
0x3: {  	_ = 	snop  }
0x4: {  	_ = 	snop  }
0x5: {  	_ = 	snop  }
0x6: {  	_ = 	snop  }
0x7: {  	_ = 	snop  }
__scs_overlays_trampoline_lowered:
0x8: {  	[smem:$0x3FA5] =	sst s0  }
0x9: {  	[smem:$0x3FA6] =	sst s1  }
0xa: {  	[smem:$0x3FA7] =	sst s2  }
0xb: {  	[smem:$0x3FA8] =	sst s3  }
0xc: {  	[smem:$0x3FA9] =	sst s4  }
0xd: {  	[smem:$0x3FAA] =	sst s5  }
0xe: {  	[smem:$0x3FAB] =	sst s6  }
0xf: {  	[smem:$0x3FAC] =	sst s7  }
0x10: {  	[smem:$0x3FAD] =	sst s8  }
0x11: {  	[smem:$0x3FAE] =	sst s9;
	s0 =	simm.s32 @!p0 $0x0  }
0x12: {  	s1 =	sld [smem:$0x3F94];
	s0 =	simm.s32 @p0 $0x1  }
0x13: {  	[smem:$0x3FAF] =	sst s0;
	s0 =	simm.s32 @!p1 $0x0  }
0x14: {  	s2 =	sld [smem:$0x3F93];
	s0 =	simm.s32 @p1 $0x1  }
0x15: {  	[smem:$0x3FB0] =	sst s0;
	s0 =	simm.s32 @!p2 $0x0  }
0x16: {  	s3 =	sld [smem:$0x3FDB];
	s0 =	simm.s32 @p2 $0x1  }
0x17: {  	s4 =	simm.s32 $0x1BF5;
	[smem:$0x3FB2] =	sst s0  }
0x18: {  	s0 =	sld [smem:$0x3F95];
	_ =	swait.ge [sflag:s4], $0x0  }
0x19: {  	s7 =	sld [smem:$0x3F96]  }
0x1a: {  	s8 =	sadd.s32 $0xFFFFE003, lr  }
0x1b: {  	s9 =	sadd.s32 $0xFFFFFEF7, lr;
	s5 =	simm.s32 $0xFFFFFFFF;
	p2 =	slt.u32 s8, $0xFFFFF086  }
0x1c: {  	p1 =	slt.u32 s9, $0xF7A;
	s5 =	simm.s32 @!p2 $0x0  }
0x1d: {  	s5 =	simm.s32 @p1 $0x1;
	p0 =	seq.s32 s7, s2  }
0x1e: {  	s7 =	smul.u32 @!p0 $0xF7A, s2;
	p2 =	seq.s32 @!p0 s5, $0x0  }
0x1f: {  	s9 =	smul.u32 $0xF7A, s1;
	s8 =	simm.s32 @!p0 $0x1BF5;
	p2 =	por !p2, p0  }
0x20: {  	[sflag:s8] =	ssyncset.s32 @!p0 $0xFFFFF086;
	s6 =	sadd.s32 @!p0 s3, s7;
	s7 =	simm.s32 @!p0 $0x108  }
0x21: {  	s3 =	sadd.s32 s3, s9;
	s6 =	sadd.s32 @!p0 $0x88, s6;
	s7 =	simm.s32 @p2 $0x1082  }
0x22: {  	[simem:s7], [sflag:s8] =	dma.local @!p0 [hbm:s6], $0xF7A  }
0x23: {  	s9 =	sor.u32 $0xD0000000, s2;
	s6 =	simm.s32 $0x108;
	_ =	swait.ge @!p0 [sflag:s8], $0x0  }
0x24: {  	s3 =	sadd.s32 $0x88, s3;
	s6 =	simm.s32 @!p1 $0x1082;
	[sflag:s4] =	ssyncset.s32 $0xFFFFF086  }
0x25: {  	[simem:s6], [sflag:s4] =	dma.local [hbm:s3], $0xF7A  }
0x26: {  	[smem:$0x3F96] =	sst s1;
	(tag) =	ssettag s2;
	_ =	strace s9  }
0x27: {  	s1 =	sld [smem:$0x3FA6]  }
0x28: {  	s2 =	sld [smem:$0x3FA7]  }
0x29: {  	s4 =	sld [smem:$0x3FA9]  }
0x2a: {  	p0 =	seq.s32 s5, $0x0;
	s5 =	sld [smem:$0x3FAA]  }
0x2b: {  	s6 =	sld [smem:$0x3FAB]  }
0x2c: {  	s7 =	sld [smem:$0x3FAC]  }
0x2d: {  	s3 =	simm.s32 $0x108;
	s8 =	sld [smem:$0x3FAD]  }
0x2e: {  	s3 =	simm.s32 @!p0 $0x1082;
	s9 =	sld [smem:$0x3FAE]  }
0x2f: {  	lr =	sadd.s32 s0, s3;
	s0 =	sld [smem:$0x3FA5]  }
0x30: {  	s3 =	sld [smem:$0x3FA8]  }
0x31: {  	[smem:$0x3FB1] =	sst s10  }
0x32: {  	s10 =	sld [smem:$0x3FAF];
	_ =	sdelay $0x3  }
0x33: {  	p0 =	seq.s32 s10, $0x1;
	s10 =	sld [smem:$0x3FB1];
	_ =	sdelay $0x3  }
0x34: {  	[smem:$0x3FB1] =	sst s10  }
0x35: {  	s10 =	sld [smem:$0x3FB0];
	_ =	sdelay $0x3  }
0x36: {  	p1 =	seq.s32 s10, $0x1;
	s10 =	sld [smem:$0x3FB1];
	_ =	sdelay $0x3  }
0x37: {  	[smem:$0x3FB1] =	sst s10  }
0x38: {  	s10 =	sld [smem:$0x3FB2]  }
0x39: {  	_ = 	snop;
	(pc) =	sbr.ind lr, $3  }
0x3a: {  	_ = 	snop  }
0x3b: {  	_ = 	snop  }
0x3c: {  	p2 =	seq.s32 s10, $0x1;
	s10 =	sld [smem:$0x3FB1]  }
0x3d: {  	_ =	shalt  }
0x3e: {  	_ =	shalt  }
0x3f: {  	_ =	shalt  }
0x40: {  	_ =	shalt  }
0x41: {  	_ =	shalt  }
0x42: {  	_ =	shalt  }
0x43: {  	_ =	shalt  }
0x44: {  	_ =	shalt  }
0x45: {  	_ =	shalt  }
0x46: {  	_ =	shalt  }
0x47: {  	_ =	shalt  }
0x48: {  	_ =	shalt  }
0x49: {  	_ =	shalt  }
0x4a: {  	_ =	shalt  }
0x4b: {  	_ =	shalt  }
0x4c: {  	_ =	shalt  }
0x4d: {  	_ =	shalt  }
0x4e: {  	_ =	shalt  }
0x4f: {  	_ =	shalt  }
0x50: {  	_ =	shalt  }
0x51: {  	_ =	shalt  }
0x52: {  	_ =	shalt  }
0x53: {  	_ =	shalt  }
0x54: {  	_ =	shalt  }
0x55: {  	_ =	shalt  }
0x56: {  	_ =	shalt  }
0x57: {  	_ =	shalt  }
0x58: {  	_ =	shalt  }
0x59: {  	_ =	shalt  }
0x5a: {  	_ =	shalt  }
0x5b: {  	_ =	shalt  }
0x5c: {  	_ =	shalt  }
0x5d: {  	_ =	shalt  }
0x5e: {  	_ =	shalt  }
0x5f: {  	_ =	shalt  }
0x60: {  	_ =	shalt  }
0x61: {  	_ =	shalt  }
0x62: {  	_ =	shalt  }
0x63: {  	_ =	shalt  }
0x64: {  	_ =	shalt  }
0x65: {  	_ =	shalt  }
0x66: {  	_ =	shalt  }
0x67: {  	_ =	shalt  }
0x68: {  	_ =	shalt  }
0x69: {  	_ =	shalt  }
0x6a: {  	_ =	shalt  }
0x6b: {  	_ =	shalt  }
0x6c: {  	_ =	shalt  }
0x6d: {  	_ =	shalt  }
0x6e: {  	_ =	shalt  }
0x6f: {  	_ =	shalt  }
0x70: {  	_ =	shalt  }
0x71: {  	_ =	shalt  }
0x72: {  	_ =	shalt  }
0x73: {  	_ =	shalt  }
0x74: {  	_ =	shalt  }
0x75: {  	_ =	shalt  }
0x76: {  	_ =	shalt  }
0x77: {  	_ =	shalt  }
0x78: {  	_ =	shalt  }
0x79: {  	_ =	shalt  }
0x7a: {  	_ =	shalt  }
0x7b: {  	_ =	shalt  }
0x7c: {  	_ =	shalt  }
0x7d: {  	_ =	shalt  }
0x7e: {  	_ =	shalt  }
0x7f: {  	_ =	shalt  }
0x80: {  	_ =	shalt  }
0x81: {  	_ =	shalt  }
0x82: {  	_ =	shalt  }
0x83: {  	_ =	shalt  }
0x84: {  	_ =	shalt  }
0x85: {  	_ =	shalt  }
0x86: {  	_ =	shalt  }
0x87: {  	_ =	shalt  }
.Lfunc_end0:
.L_simem_size_0:
called_computation_lowered:
.L_overlay_start_0:
0x88: {  	s2 =	sld [smem:$0x3FD9]  }
0x89: {  	s3 =	sld [smem:$0x3FFE];
	_ =	sdelay $0x1  }
0x8a: {  	s1 =	srdreg.scid  }
0x8b: {  	s0 =	sand.u32 $0x1, s1  }
0x8c: {  	s16 =	sshll.u32 s0, $0xA;
	s2 =	sadd.s32 s3, s2  }
0x8d: {  	s2 =	sadd.s32 s2, s16  }
0x8e: {  	[smem:$0x3FBD] =	sst s2  }
0x8f: {  	_ = 	snop  }
0x90: {  	(tm) =	ssettm $0x1  }
0x91: {  	s17 =	sld [smem:$0x3FFB];
	_ =	sdelay $0x3  }
0x92: {  	_ =	strace s17  }
0x93: {  	s2 =	sld [smem:$0x3FFC];
	_ =	sdelay $0x3  }
0x94: {  	_ =	strace s2  }
0x95: {  	s2 =	sld [smem:$0x3FFD];
	_ =	sdelay $0x3  }
0x96: {  	_ =	strace s2  }
0x97: {  	_ =	strace $0x8FFFFFFF  }
0x98: {  	s18 =	sld [smem:$0x3FDB];
	_ =	sdelay $0x1  }
0x99: {  	s19 =	simm.s32 $_scs_section_size  }
0x9a: {  	s4 =	simm.s32 $_size__tile_overlayer_lowered;
	s5 =	simm.s32 $_tile_overlayer_lowered  }
0x9b: {  	s22 =	simm.s32 $0x1BFF;
	s21 =	sshll.u32 s5, $0x1;
	s2 =	sadd.s32 s19, s18  }
0x9c: {  	s6 =	simm.s32 $0x0;
	s20 =	sshll.u32 s4, $0x1;
	s4 =	sadd.s32 s21, s2  }
0x9d: {  	[timem:s6], [sflag:s22] =	dma.local [hbm:s4], s20  }
0x9e: {  	_ =	swait.ge [sflag:s22], s20  }
0x9f: {  	s3 =	ssub.s32 $0x0, s20;
	[sflag:s22] =	ssyncset.done $0x0  }
0xa0: {  	[sflag:s22] =	ssyncadd.s32 s3;
	_ =	sdelay $0x1  }
0xa1: {  	s23 =	simm.s32 $0x1B8B  }
0xa2: {  	_ =	swait.ge [sflag:s23], $0x1  }
0xa3: {  	[sflag:s23] =	ssyncset.done $0x0  }
0xa4: {  	s25 =	simm.s32 $0x1B8E;
	s24 =	sld [smem:$0x3FFE];
	[sflag:s23] =	ssyncadd.s32 $0xFFFFFFFF  }
0xa5: {  	s26 =	simm.s32 $execute0_lowered;
	[smem:$0x3FD2] =	sst s25  }
0xa6: {  	s4 =	sshll.u32 s26, $0x1;
	_ =	strace $0x80000046;
	[dreg:$0x1] =	wrdreg $0xFFFFFFFF  }
0xa7: {  	s28 =	simm.s32 $_size_execute0_lowered;
	s2 =	sadd.s32 s2, s4;
	[dreg:$0x0] =	wrdreg $0x0  }
0xa8: {  	s4 =	sshll.u32 s28, $0x1;
	[dreg:$0x2] =	wrdreg s2  }
0xa9: {  	[dreg:$0x3] =	wrdreg s4  }
0xaa: {  	[dreg:$0x4] =	wrdreg $0xC0  }
0xab: {  	_ =	task [dreg:s6], $0x5FFFF  }
0xac: {  	[dreg:$0x1] =	wrdreg $0xFFFFFFFF  }
0xad: {  	[dreg:$0x0] =	wrdreg $0x60  }
0xae: {  	[dreg:$0x2] =	wrdreg s24  }
0xaf: {  	[dreg:$0x3] =	wrdreg $0x88800  }
0xb0: {  	[dreg:$0x4] =	wrdreg $0x9  }
0xb1: {  	_ =	task.clear_ibuf [dreg:s6], $0x5FFFF;
	_ =	strace $0x90000046  }
0xb2: {  	s29 =	simm.s32 $0x9;
	_ =	strace $0x80000048  }
0xb3: {  	_ =	swait.ge [sflag:s29], $0x1  }
0xb4: {  	[sflag:s29] =	ssyncadd.s32 $0xFFFFFFFF  }
0xb5: {  	_ =	strace $0x90000048  }
0xb6: {  	_ =	sfence  }
0xb7: {  	s30 =	sld [smem:$0x0];
	_ =	sdelay $0x2  }
0xb8: {  	s31 =	sshll.u32 s1, $0xD;
	s1 =	sshrl.u32 s1, $0x2  }
0xb9: {  	s3 =	sand.u32 $0x4000, s31;
	s1 =	sadd.s32 s1, s30  }
0xba: {  	s0 =	sor.u32 s3, s0;
	s1 =	sshll.u32 s1, $0x11  }
0xbb: {  	s0 =	sor.u32 s1, s0  }
0xbc: {  	s0 =	sadd.s32 $0x8F2B, s0  }
0xbd: {  	[sflag:s0] =	ssyncadd.remote.s32 $0x1  }
0xbe: {  	_ =	sfence.sel $0xFFFF  }
0xbf: {  	[dreg:$0x0] =	wrdreg $0xFFFFFFFF;
	(pc) =	sbr.abs _section_cstart, $3  }
0xc0: {  	[dreg:$0x1] =	wrdreg $0xFFFFFFFF  }
0xc1: {  	_ =	task.clear_ibuf [dreg:s6], $0x2FFFF;
	_ =	strace $0x9FFFFFFF  }
0xc2: {  	(tm) =	ssettm $0x7FFFFFFF  }
0xc3: {  	_ =	shalt  }
tec
execute0_lowered:
.L_overlay_start_1:
0x0: {  	(tag) =	ssettag $0x1  }
0x1: {  	s4 =	rddreg [dreg:$0x0]  }
0x2: {  	s1 =	rddreg [dreg:$0x1];
	s2 =	srdreg.scid  }
0x3: {  	s0 =	rddreg [dreg:$0x2];
	s5 =	sand.u32 $0x1, s2  }
0x4: {  	s2 =	stileid.u32;
	s6 =	smul.u32 $0x4F00, s5  }
0x5: {  	s3 =	simm.s32 $0x0;
	s19 =	simm.s32 $0x4880;
	s7 =	smul.u32 $0x50000, s2  }
0x6: {  	s20 =	simm.s32 $0x0;
	[smem:$0x7FF] =	sst s3;
	s11 =	smul.u32 $0x140000, s5  }
0x7: {  	s14 =	sadd.s32 $0xCE00, s4;
	s8 =	ssub.s32 $0x2, s5;
	s12 =	smul.u32 $0x14000, s2  }
0x8: {  	_ =	strace $0x80000047;
	s18 =	smul.u32 $0x4F0, s2;
	s24 =	sshrl.u32 s8, $0x1  }
0x9: {  	s15 =	sadd.s32 s6, s4;
	s5 =	ssub.s32 s8, s24;
	s25 =	sshrl.u32 s7, $0x2  }
0xa: {  	s26 =	sadd.s32 s11, s12;
	s28 =	sadd.s32 $0x4000, s12;
	s9 =	sadd.s32 $0x8000, s12  }
0xb: {  	s13 =	sadd.s32 $0xC000, s12;
	s17 =	sadd.s32 $0x10000, s12;
	s4 =	sadd.s32 s25, s1  }
0xc: {  	s5 =	smax.u32 s5, $0x1;
	s6 =	sshrl.u32 s26, $0x3;
	s29 =	sadd.s32 s11, s28  }
0xd: {  	s7 =	sadd.s32 s28, s1;
	s10 =	sadd.s32 s11, s9;
	s9 =	sadd.s32 s9, s1  }
0xe: {  	s16 =	sadd.s32 s11, s13;
	s31 =	sadd.s32 s11, s17;
	s11 =	sadd.s32 s13, s1  }
0xf: {  	s13 =	sadd.s32 s17, s1;
	s15 =	sadd.s32 s18, s15;
	s17 =	simm.s32 $0x1  }
0x10: {  	s18 =	simm.s32 $0x80;
	s6 =	sadd.s32 s14, s6;
	s8 =	sshrl.u32 s29, $0x3  }
0x11: {  	s10 =	sshrl.u32 s10, $0x3;
	s30 =	sshrl.u32 s16, $0x3;
	s16 =	sshrl.u32 s31, $0x3  }
0x12: {  	s15 =	sadd.s32 $0x3000, s15;
	s8 =	sadd.s32 s14, s8;
	s10 =	sadd.s32 s14, s10  }
0x13: {  	v0 =	vimm.f32 $0.0e+00;
	v1 =	vimm.f32 $1.000000000e+00;
	s12 =	sadd.s32 s14, s30;
	s14 =	sadd.s32 s14, s16;
	s16 =	simm.s32 $0x4080  }
.LBB2_1:
0x14: {  	s21 =	sand.u32 $0x1E00, s3  }
0x15: {  	s23 =	sand.u32 $0x70, s3;
	s21 =	sshrl.u32 s21, $0x2  }
0x16: {  	s22 =	simm.s32 $0x40;
	s24 =	sor.u32 s23, s21;
	s23 =	simm.s32 $0x0  }
.LBB2_2:
0x17: {  	p0 =	sne.s32 s22, $0x1FC0  }
0x18: {  	[tilespmem:s24+$0x4080] =	vst v0;
	s23 =	sadd.s32 $0x10, s23;
	s21 =	smov.u32 s22;
	s22 =	sadd.s32 $0x40, s22  }
.Ltmp0:
0x19: {  	(pc) =	sbr.rel @p0 .LBB2_2-.Ltmp0, $4  }
0x1a: {  	_ = 	snop  }
0x1b: {  	s21 =	sand.u32 $0x1E00, s21  }
0x1c: {  	s24 =	sand.u32 $0x70, s23;
	s21 =	sshrl.u32 s21, $0x2  }
0x1d: {  	s24 =	sor.u32 s24, s21;
	s21 =	simm.s32 $0x0  }
0x1e: {  	s22 =	sand.u32 $0xFE00, s21  }
0x1f: {  	s23 =	sand.u32 $0x70, s21;
	s25 =	sshrl.u32 s22, $0x2  }
0x20: {  	[tilespmem:s24+$0x4080] =	vst v0;
	s22 =	simm.s32 $0x40;
	s23 =	sor.u32 s23, s25  }
.LBB2_4:
0x21: {  	p0 =	sne.s32 s22, $0xFFC0  }
0x22: {  	[tilespmem:s23+$0x80] =	vst v1;
	s21 =	sadd.s32 $0x10, s21;
	s23 =	smov.u32 s22;
	s22 =	sadd.s32 $0x40, s22  }
.Ltmp1:
0x23: {  	(pc) =	sbr.rel @p0 .LBB2_4-.Ltmp1, $4  }
0x24: {  	_ = 	snop  }
0x25: {  	s23 =	sand.u32 $0xFE00, s23  }
0x26: {  	s24 =	sand.u32 $0x70, s21;
	s23 =	sshrl.u32 s23, $0x2  }
0x27: {  	s23 =	sor.u32 s24, s23  }
0x28: {  	[tilespmem:s23+$0x80] =	vst v1;
	s21 =	sadd.s32 $0x0, s4  }
0x29: {  	[spmem:s21] =	stream.linear.scatter [tilespmem:s16], [sflag:$0x1], $0x800, $0x38;
	[tilespmem:$0x1C880] =	vst v63  }
0x2a: {  	s21 =	simm.s32 $0x2000;
	_ =	swait.ge [sflag:s17], $0x800  }
.LBB2_6:
0x2b: {  	s22 =	sshra.s32 s21, $0x2;
	[sflag:s17] =	ssyncset.done $0x0;
	p0 =	sne.s32 s21, $0x4E000  }
.Ltmp2:
0x2c: {  	s22 =	sadd.s32 s22, s4;
	[sflag:s17] =	ssyncadd.s32 $0xFFFFF800;
	(pc) =	sbr.rel @p0 .LBB2_6-.Ltmp2, $3  }
0x2d: {  	[spmem:s22] =	stream.linear.scatter [tilespmem:s16], [sflag:$0x1], $0x800, $0x38;
	[tilespmem:$0x1C880] =	vst v63  }
0x2e: {  	s21 =	sadd.s32 $0x2000, s21;
	_ =	sdelay $0x1  }
0x2f: {  	_ =	swait.ge [sflag:s17], $0x800  }
0x30: {  	[sflag:s17] =	ssyncset.done $0x0  }
0x31: {  	[sflag:s17] =	ssyncadd.s32 $0xFFFFF800  }
0x32: {  	s21 =	sadd.s32 $0x0, s15;
	[bflag:$0x0] =	sbarrier.arrive $0xFFFF  }
0x33: {  	[tilespmem:s3], [sflag:$0x1] =	stream.linear.gather [hbm4b:s21+s3], $0x80, $0x38;
	[tilespmem:$0x1C880] =	vst v63  }
0x34: {  	_ =	swait.ge [sflag:s17], $0x80  }
0x35: {  	[sflag:s17] =	ssyncset.done $0x0  }
0x36: {  	[sflag:s17] =	ssyncadd.s32 $0xFFFFFF80  }
0x37: {  	[spmem:s1] =	stream.indirect.scatter.add.f32 [tilespmem:s18], [sflag:$0x1], $0x80, s3, s18, $0xb8;
	[tilespmem:$0x1C880] =	vst v63  }
0x38: {  	_ =	swait.ge [sflag:s17], $0x4000  }
0x39: {  	s22 =	simm.s32 $0x20;
	s21 =	simm.s32 $0x10;
	[sflag:s17] =	ssyncset.done $0x0  }
.LBB2_8:
0x3a: {  	s23 =	sadd.s32 s21, s15  }
0x3b: {  	[sflag:s17] =	ssyncadd.s32 $0xFFFFC000;
	s21 =	smov.u32 s22;
	s24 =	sadd.s32 $0x10, s22  }
0x3c: {  	[tilespmem:s3], [sflag:$0x1] =	stream.linear.gather [hbm4b:s23+s3], $0x80, $0x38;
	[tilespmem:$0x1C880] =	vst v63  }
0x3d: {  	p0 =	sne.s32 s22, $0x4E0;
	_ =	swait.ge [sflag:s17], $0x80  }
.Ltmp3:
0x3e: {  	[sflag:s17] =	ssyncset.done $0x0;
	(pc) =	sbr.rel @p0 .LBB2_8-.Ltmp3, $4  }
0x3f: {  	[sflag:s17] =	ssyncadd.s32 $0xFFFFFF80  }
0x40: {  	[spmem:s1] =	stream.indirect.scatter.add.f32 [tilespmem:s18], [sflag:$0x1], $0x80, s3, s18, $0xb8;
	[tilespmem:$0x1C880] =	vst v63  }
0x41: {  	_ =	swait.ge [sflag:s17], $0x4000  }
0x42: {  	s22 =	smov.u32 s24;
	[sflag:s17] =	ssyncset.done $0x0  }
0x43: {  	s21 =	sadd.s32 s21, s15;
	[sflag:s17] =	ssyncadd.s32 $0xFFFFC000  }
0x44: {  	[tilespmem:s3], [sflag:$0x1] =	stream.linear.gather [hbm4b:s21+s3], $0x80, $0x38;
	[tilespmem:$0x1C880] =	vst v63  }
0x45: {  	_ =	swait.ge [sflag:s17], $0x80  }
0x46: {  	[sflag:s17] =	ssyncset.done $0x0  }
0x47: {  	[sflag:s17] =	ssyncadd.s32 $0xFFFFFF80  }
0x48: {  	[spmem:s1] =	stream.indirect.scatter.add.f32 [tilespmem:s18], [sflag:$0x1], $0x80, s3, s18, $0xb8;
	[tilespmem:$0x1C880] =	vst v63  }
0x49: {  	_ =	swait.ge [sflag:s17], $0x4000  }
0x4a: {  	[sflag:s17] =	ssyncset.done $0x0  }
0x4b: {  	[sflag:s17] =	ssyncadd.s32 $0xFFFFC000  }
0x4c: {  	[bflag:$0x0] =	sbarrier.arrive $0xFFFF  }
0x4d: {  	[tilespmem:s19], [sflag:$0x1] =	stream.linear.gather [spmem:s4], $0x4000, $0x38;
	[tilespmem:$0x1C880] =	vst v63  }
0x4e: {  	_ =	swait.ge [sflag:s17], $0x4000  }
0x4f: {  	[sflag:s17] =	ssyncset.done $0x0  }
0x50: {  	[sflag:s17] =	ssyncadd.s32 $0xFFFFC000  }
0x51: {  	[hbm4b:s6+s3] =	stream.linear.scatter [tilespmem:s19], [sflag:$0x1], $0x4000, $0x38;
	[tilespmem:$0x1C880] =	vst v63  }
0x52: {  	_ =	swait.ge [sflag:s17], $0x4000  }
0x53: {  	[sflag:s17] =	ssyncset.done $0x0  }
0x54: {  	[sflag:s17] =	ssyncadd.s32 $0xFFFFC000  }
0x55: {  	[tilespmem:s19], [sflag:$0x1] =	stream.linear.gather [spmem:s7], $0x4000, $0x38;
	[tilespmem:$0x1C880] =	vst v63  }
0x56: {  	_ =	swait.ge [sflag:s17], $0x4000  }
0x57: {  	[sflag:s17] =	ssyncset.done $0x0  }
0x58: {  	[sflag:s17] =	ssyncadd.s32 $0xFFFFC000  }
0x59: {  	[hbm4b:s8+s3] =	stream.linear.scatter [tilespmem:s19], [sflag:$0x1], $0x4000, $0x38;
	[tilespmem:$0x1C880] =	vst v63  }
0x5a: {  	_ =	swait.ge [sflag:s17], $0x4000  }
0x5b: {  	[sflag:s17] =	ssyncset.done $0x0  }
0x5c: {  	[sflag:s17] =	ssyncadd.s32 $0xFFFFC000  }
0x5d: {  	[tilespmem:s19], [sflag:$0x1] =	stream.linear.gather [spmem:s9], $0x4000, $0x38;
	[tilespmem:$0x1C880] =	vst v63  }
0x5e: {  	_ =	swait.ge [sflag:s17], $0x4000  }
0x5f: {  	[sflag:s17] =	ssyncset.done $0x0  }
0x60: {  	[sflag:s17] =	ssyncadd.s32 $0xFFFFC000  }
0x61: {  	[hbm4b:s10+s3] =	stream.linear.scatter [tilespmem:s19], [sflag:$0x1], $0x4000, $0x38;
	[tilespmem:$0x1C880] =	vst v63  }
0x62: {  	_ =	swait.ge [sflag:s17], $0x4000  }
0x63: {  	[sflag:s17] =	ssyncset.done $0x0  }
0x64: {  	[sflag:s17] =	ssyncadd.s32 $0xFFFFC000  }
0x65: {  	[tilespmem:s19], [sflag:$0x1] =	stream.linear.gather [spmem:s11], $0x4000, $0x38;
	[tilespmem:$0x1C880] =	vst v63  }
0x66: {  	_ =	swait.ge [sflag:s17], $0x4000  }
0x67: {  	[sflag:s17] =	ssyncset.done $0x0  }
0x68: {  	[sflag:s17] =	ssyncadd.s32 $0xFFFFC000  }
0x69: {  	[hbm4b:s12+s3] =	stream.linear.scatter [tilespmem:s19], [sflag:$0x1], $0x4000, $0x38;
	[tilespmem:$0x1C880] =	vst v63  }
0x6a: {  	_ =	swait.ge [sflag:s17], $0x4000  }
0x6b: {  	[sflag:s17] =	ssyncset.done $0x0  }
0x6c: {  	[sflag:s17] =	ssyncadd.s32 $0xFFFFC000  }
0x6d: {  	[tilespmem:s19], [sflag:$0x1] =	stream.linear.gather [spmem:s13], $0x4000, $0x38;
	[tilespmem:$0x1C880] =	vst v63  }
0x6e: {  	s20 =	sadd.s32 $0x1, s20;
	_ =	swait.ge [sflag:s17], $0x4000  }
0x6f: {  	p0 =	sne.s32 s20, s5;
	[sflag:s17] =	ssyncset.done $0x0  }
.Ltmp4:
0x70: {  	[sflag:s17] =	ssyncadd.s32 $0xFFFFC000;
	(pc) =	sbr.rel @p0 .LBB2_1-.Ltmp4, $4  }
0x71: {  	[hbm4b:s14+s3] =	stream.linear.scatter [tilespmem:s19], [sflag:$0x1], $0x4000, $0x38;
	[tilespmem:$0x1C880] =	vst v63  }
0x72: {  	_ =	swait.ge [sflag:s17], $0x4000  }
0x73: {  	[sflag:s17] =	ssyncset.done $0x0  }
0x74: {  	[sflag:s17] =	ssyncadd.s32 $0xFFFFC000  }
0x75: {  	_ =	sfence.sel $0x180000  }
0x76: {  	[bflag:$0x0] =	sbarrier.arrive $0xFFFF  }
0x77: {  	p0 =	sne.s32 s2, $0x0;
	_ =	strace $0x90000047  }
0x78: {  	s0 =	sadd.s32 @!p0 $0x100000, s0;
	[bflag:$0x2] =	sbarrier.arrive $0xFFFF  }
0x79: {  	[sflag:s0] =	ssyncadd.tile.s32 @!p0 $0x1;
	_ =	shalt  }
.Lfunc_end2:
_tile_overlayer_lowered:
.L_overlay_start_2:
0x7a: {  	(tag) =	ssettag $0x2  }
0x7b: {  	s0 =	rddreg [dreg:$0x0];
	s2 =	stileid.u32  }
0x7c: {  	s1 =	rddreg [dreg:$0x1];
	p0 =	sne.s32 s2, $0x0  }
0x7d: {  	s3 =	rddreg [dreg:$0x2];
	[bflag:$0x3] =	sbarrier.arrive $0xFFFF;
	s2 =	simm.s32 @!p0 $0x1C01  }
0x7e: {  	[timem:s3], [sflag:s2] =	dma.local @!p0 [hbm:s0], s1  }
0x7f: {  	s0 =	simm.s32 @!p0 $0x1  }
0x80: {  	_ =	swait.ge @!p0 [sflag:s0], s1  }
0x81: {  	s1 =	ssub.s32 @!p0 $0x0, s1;
	[sflag:s0] =	ssyncset.done @!p0 $0x0  }
0x82: {  	[sflag:s0] =	ssyncadd.s32 @!p0 s1  }
0x83: {  	[bflag:$0x3] =	sbarrier.arrive $0xFFFF  }
0x84: {  	_ =	shalt  }

// kernel: kernel.13.cloned.1.call-start
scs
__scs_entry_jumppad:
0x0: {  	(pc) =	sbr.rel $0x88, $3  }
0x1: {  	(tag) =	ssettag $0x0;
	lr =	simm.s32 $0x1  }
0x2: {  	[smem:$0x3F96] =	sst lr;
	_ =	strace $0xD0000000  }
0x3: {  	_ = 	snop  }
0x4: {  	_ = 	snop  }
0x5: {  	_ = 	snop  }
0x6: {  	_ = 	snop  }
0x7: {  	_ = 	snop  }
__scs_overlays_trampoline_lowered:
0x8: {  	[smem:$0x3FA5] =	sst s0  }
0x9: {  	[smem:$0x3FA6] =	sst s1  }
0xa: {  	[smem:$0x3FA7] =	sst s2  }
0xb: {  	[smem:$0x3FA8] =	sst s3  }
0xc: {  	[smem:$0x3FA9] =	sst s4  }
0xd: {  	[smem:$0x3FAA] =	sst s5  }
0xe: {  	[smem:$0x3FAB] =	sst s6  }
0xf: {  	[smem:$0x3FAC] =	sst s7  }
0x10: {  	[smem:$0x3FAD] =	sst s8  }
0x11: {  	[smem:$0x3FAE] =	sst s9;
	s0 =	simm.s32 @!p0 $0x0  }
0x12: {  	s1 =	sld [smem:$0x3F94];
	s0 =	simm.s32 @p0 $0x1  }
0x13: {  	[smem:$0x3FAF] =	sst s0;
	s0 =	simm.s32 @!p1 $0x0  }
0x14: {  	s2 =	sld [smem:$0x3F93];
	s0 =	simm.s32 @p1 $0x1  }
0x15: {  	[smem:$0x3FB0] =	sst s0;
	s0 =	simm.s32 @!p2 $0x0  }
0x16: {  	s3 =	sld [smem:$0x3FDB];
	s0 =	simm.s32 @p2 $0x1  }
0x17: {  	s4 =	simm.s32 $0x1BF5;
	[smem:$0x3FB2] =	sst s0  }
0x18: {  	s0 =	sld [smem:$0x3F95];
	_ =	swait.ge [sflag:s4], $0x0  }
0x19: {  	s7 =	sld [smem:$0x3F96]  }
0x1a: {  	s8 =	sadd.s32 $0xFFFFE003, lr  }
0x1b: {  	s9 =	sadd.s32 $0xFFFFFEF7, lr;
	s5 =	simm.s32 $0xFFFFFFFF;
	p2 =	slt.u32 s8, $0xFFFFF086  }
0x1c: {  	p1 =	slt.u32 s9, $0xF7A;
	s5 =	simm.s32 @!p2 $0x0  }
0x1d: {  	s5 =	simm.s32 @p1 $0x1;
	p0 =	seq.s32 s7, s2  }
0x1e: {  	s7 =	smul.u32 @!p0 $0xF7A, s2;
	p2 =	seq.s32 @!p0 s5, $0x0  }
0x1f: {  	s9 =	smul.u32 $0xF7A, s1;
	s8 =	simm.s32 @!p0 $0x1BF5;
	p2 =	por !p2, p0  }
0x20: {  	[sflag:s8] =	ssyncset.s32 @!p0 $0xFFFFF086;
	s6 =	sadd.s32 @!p0 s3, s7;
	s7 =	simm.s32 @!p0 $0x108  }
0x21: {  	s3 =	sadd.s32 s3, s9;
	s6 =	sadd.s32 @!p0 $0x88, s6;
	s7 =	simm.s32 @p2 $0x1082  }
0x22: {  	[simem:s7], [sflag:s8] =	dma.local @!p0 [hbm:s6], $0xF7A  }
0x23: {  	s9 =	sor.u32 $0xD0000000, s2;
	s6 =	simm.s32 $0x108;
	_ =	swait.ge @!p0 [sflag:s8], $0x0  }
0x24: {  	s3 =	sadd.s32 $0x88, s3;
	s6 =	simm.s32 @!p1 $0x1082;
	[sflag:s4] =	ssyncset.s32 $0xFFFFF086  }
0x25: {  	[simem:s6], [sflag:s4] =	dma.local [hbm:s3], $0xF7A  }
0x26: {  	[smem:$0x3F96] =	sst s1;
	(tag) =	ssettag s2;
	_ =	strace s9  }
0x27: {  	s1 =	sld [smem:$0x3FA6]  }
0x28: {  	s2 =	sld [smem:$0x3FA7]  }
0x29: {  	s4 =	sld [smem:$0x3FA9]  }
0x2a: {  	p0 =	seq.s32 s5, $0x0;
	s5 =	sld [smem:$0x3FAA]  }
0x2b: {  	s6 =	sld [smem:$0x3FAB]  }
0x2c: {  	s7 =	sld [smem:$0x3FAC]  }
0x2d: {  	s3 =	simm.s32 $0x108;
	s8 =	sld [smem:$0x3FAD]  }
0x2e: {  	s3 =	simm.s32 @!p0 $0x1082;
	s9 =	sld [smem:$0x3FAE]  }
0x2f: {  	lr =	sadd.s32 s0, s3;
	s0 =	sld [smem:$0x3FA5]  }
0x30: {  	s3 =	sld [smem:$0x3FA8]  }
0x31: {  	[smem:$0x3FB1] =	sst s10  }
0x32: {  	s10 =	sld [smem:$0x3FAF];
	_ =	sdelay $0x3  }
0x33: {  	p0 =	seq.s32 s10, $0x1;
	s10 =	sld [smem:$0x3FB1];
	_ =	sdelay $0x3  }
0x34: {  	[smem:$0x3FB1] =	sst s10  }
0x35: {  	s10 =	sld [smem:$0x3FB0];
	_ =	sdelay $0x3  }
0x36: {  	p1 =	seq.s32 s10, $0x1;
	s10 =	sld [smem:$0x3FB1];
	_ =	sdelay $0x3  }
0x37: {  	[smem:$0x3FB1] =	sst s10  }
0x38: {  	s10 =	sld [smem:$0x3FB2]  }
0x39: {  	_ = 	snop;
	(pc) =	sbr.ind lr, $3  }
0x3a: {  	_ = 	snop  }
0x3b: {  	_ = 	snop  }
0x3c: {  	p2 =	seq.s32 s10, $0x1;
	s10 =	sld [smem:$0x3FB1]  }
0x3d: {  	_ =	shalt  }
0x3e: {  	_ =	shalt  }
0x3f: {  	_ =	shalt  }
0x40: {  	_ =	shalt  }
0x41: {  	_ =	shalt  }
0x42: {  	_ =	shalt  }
0x43: {  	_ =	shalt  }
0x44: {  	_ =	shalt  }
0x45: {  	_ =	shalt  }
0x46: {  	_ =	shalt  }
0x47: {  	_ =	shalt  }
0x48: {  	_ =	shalt  }
0x49: {  	_ =	shalt  }
0x4a: {  	_ =	shalt  }
0x4b: {  	_ =	shalt  }
0x4c: {  	_ =	shalt  }
0x4d: {  	_ =	shalt  }
0x4e: {  	_ =	shalt  }
0x4f: {  	_ =	shalt  }
0x50: {  	_ =	shalt  }
0x51: {  	_ =	shalt  }
0x52: {  	_ =	shalt  }
0x53: {  	_ =	shalt  }
0x54: {  	_ =	shalt  }
0x55: {  	_ =	shalt  }
0x56: {  	_ =	shalt  }
0x57: {  	_ =	shalt  }
0x58: {  	_ =	shalt  }
0x59: {  	_ =	shalt  }
0x5a: {  	_ =	shalt  }
0x5b: {  	_ =	shalt  }
0x5c: {  	_ =	shalt  }
0x5d: {  	_ =	shalt  }
0x5e: {  	_ =	shalt  }
0x5f: {  	_ =	shalt  }
0x60: {  	_ =	shalt  }
0x61: {  	_ =	shalt  }
0x62: {  	_ =	shalt  }
0x63: {  	_ =	shalt  }
0x64: {  	_ =	shalt  }
0x65: {  	_ =	shalt  }
0x66: {  	_ =	shalt  }
0x67: {  	_ =	shalt  }
0x68: {  	_ =	shalt  }
0x69: {  	_ =	shalt  }
0x6a: {  	_ =	shalt  }
0x6b: {  	_ =	shalt  }
0x6c: {  	_ =	shalt  }
0x6d: {  	_ =	shalt  }
0x6e: {  	_ =	shalt  }
0x6f: {  	_ =	shalt  }
0x70: {  	_ =	shalt  }
0x71: {  	_ =	shalt  }
0x72: {  	_ =	shalt  }
0x73: {  	_ =	shalt  }
0x74: {  	_ =	shalt  }
0x75: {  	_ =	shalt  }
0x76: {  	_ =	shalt  }
0x77: {  	_ =	shalt  }
0x78: {  	_ =	shalt  }
0x79: {  	_ =	shalt  }
0x7a: {  	_ =	shalt  }
0x7b: {  	_ =	shalt  }
0x7c: {  	_ =	shalt  }
0x7d: {  	_ =	shalt  }
0x7e: {  	_ =	shalt  }
0x7f: {  	_ =	shalt  }
0x80: {  	_ =	shalt  }
0x81: {  	_ =	shalt  }
0x82: {  	_ =	shalt  }
0x83: {  	_ =	shalt  }
0x84: {  	_ =	shalt  }
0x85: {  	_ =	shalt  }
0x86: {  	_ =	shalt  }
0x87: {  	_ =	shalt  }
.Lfunc_end0:
.L_simem_size_0:
called_computation.1_lowered:
.L_overlay_start_0:
0x88: {  	s2 =	sld [smem:$0x3FD9]  }
0x89: {  	s3 =	sld [smem:$0x3FFE];
	_ =	sdelay $0x1  }
0x8a: {  	s1 =	srdreg.scid  }
0x8b: {  	s0 =	sand.u32 $0x1, s1  }
0x8c: {  	s16 =	sshll.u32 s0, $0xA;
	s2 =	sadd.s32 s3, s2  }
0x8d: {  	s2 =	sadd.s32 s2, s16  }
0x8e: {  	[smem:$0x3FBD] =	sst s2  }
0x8f: {  	_ = 	snop  }
0x90: {  	(tm) =	ssettm $0x1  }
0x91: {  	s17 =	sld [smem:$0x3FFB];
	_ =	sdelay $0x3  }
0x92: {  	_ =	strace s17  }
0x93: {  	s2 =	sld [smem:$0x3FFC];
	_ =	sdelay $0x3  }
0x94: {  	_ =	strace s2  }
0x95: {  	s2 =	sld [smem:$0x3FFD];
	_ =	sdelay $0x3  }
0x96: {  	_ =	strace s2  }
0x97: {  	_ =	strace $0x8FFFFFFF  }
0x98: {  	s18 =	sld [smem:$0x3FDB];
	_ =	sdelay $0x1  }
0x99: {  	s19 =	simm.s32 $_scs_section_size  }
0x9a: {  	s4 =	simm.s32 $_size__tile_overlayer_lowered;
	s5 =	simm.s32 $_tile_overlayer_lowered  }
0x9b: {  	s22 =	simm.s32 $0x1BFF;
	s21 =	sshll.u32 s5, $0x1;
	s2 =	sadd.s32 s19, s18  }
0x9c: {  	s6 =	simm.s32 $0x0;
	s20 =	sshll.u32 s4, $0x1;
	s4 =	sadd.s32 s21, s2  }
0x9d: {  	[timem:s6], [sflag:s22] =	dma.local [hbm:s4], s20  }
0x9e: {  	_ =	swait.ge [sflag:s22], s20  }
0x9f: {  	s3 =	ssub.s32 $0x0, s20;
	[sflag:s22] =	ssyncset.done $0x0  }
0xa0: {  	[sflag:s22] =	ssyncadd.s32 s3;
	_ =	sdelay $0x1  }
0xa1: {  	s23 =	simm.s32 $0x1B8B  }
0xa2: {  	_ =	swait.ge [sflag:s23], $0x1  }
0xa3: {  	[sflag:s23] =	ssyncset.done $0x0  }
0xa4: {  	s25 =	simm.s32 $0x1B8E;
	s24 =	sld [smem:$0x3FFE];
	[sflag:s23] =	ssyncadd.s32 $0xFFFFFFFF  }
0xa5: {  	s26 =	simm.s32 $execute0_lowered;
	[smem:$0x3FD2] =	sst s25  }
0xa6: {  	s4 =	sshll.u32 s26, $0x1;
	_ =	strace $0x80000049;
	[dreg:$0x1] =	wrdreg $0xFFFFFFFF  }
0xa7: {  	s28 =	simm.s32 $_size_execute0_lowered;
	s2 =	sadd.s32 s2, s4;
	[dreg:$0x0] =	wrdreg $0x0  }
0xa8: {  	s4 =	sshll.u32 s28, $0x1;
	[dreg:$0x2] =	wrdreg s2  }
0xa9: {  	[dreg:$0x3] =	wrdreg s4  }
0xaa: {  	[dreg:$0x4] =	wrdreg $0xC0  }
0xab: {  	_ =	task [dreg:s6], $0x5FFFF  }
0xac: {  	[dreg:$0x1] =	wrdreg $0xFFFFFFFF  }
0xad: {  	[dreg:$0x0] =	wrdreg $0x60  }
0xae: {  	[dreg:$0x2] =	wrdreg s24  }
0xaf: {  	[dreg:$0x3] =	wrdreg $0x89000  }
0xb0: {  	[dreg:$0x4] =	wrdreg $0x9  }
0xb1: {  	_ =	task.clear_ibuf [dreg:s6], $0x5FFFF;
	_ =	strace $0x90000049  }
0xb2: {  	s29 =	simm.s32 $0x9;
	_ =	strace $0x8000004B  }
0xb3: {  	_ =	swait.ge [sflag:s29], $0x1  }
0xb4: {  	[sflag:s29] =	ssyncadd.s32 $0xFFFFFFFF  }
0xb5: {  	_ =	strace $0x9000004B  }
0xb6: {  	_ =	sfence  }
0xb7: {  	s30 =	sld [smem:$0x0];
	_ =	sdelay $0x2  }
0xb8: {  	s31 =	sshll.u32 s1, $0xD;
	s1 =	sshrl.u32 s1, $0x2  }
0xb9: {  	s3 =	sand.u32 $0x4000, s31;
	s1 =	sadd.s32 s1, s30  }
0xba: {  	s0 =	sor.u32 s3, s0;
	s1 =	sshll.u32 s1, $0x11  }
0xbb: {  	s0 =	sor.u32 s1, s0  }
0xbc: {  	s0 =	sadd.s32 $0x8F2B, s0  }
0xbd: {  	[sflag:s0] =	ssyncadd.remote.s32 $0x1  }
0xbe: {  	_ =	sfence.sel $0xFFFF  }
0xbf: {  	[dreg:$0x0] =	wrdreg $0xFFFFFFFF;
	(pc) =	sbr.abs _section_cstart, $3  }
0xc0: {  	[dreg:$0x1] =	wrdreg $0xFFFFFFFF  }
0xc1: {  	_ =	task.clear_ibuf [dreg:s6], $0x2FFFF;
	_ =	strace $0x9FFFFFFF  }
0xc2: {  	(tm) =	ssettm $0x7FFFFFFF  }
0xc3: {  	_ =	shalt  }
tec
execute0_lowered:
.L_overlay_start_1:
0x0: {  	(tag) =	ssettag $0x1  }
0x1: {  	s5 =	rddreg [dreg:$0x0]  }
0x2: {  	s1 =	rddreg [dreg:$0x1]  }
0x3: {  	s0 =	rddreg [dreg:$0x2];
	s2 =	simm.s32 $0x0;
	s3 =	srdreg.scid  }
0x4: {  	s20 =	simm.s32 $0x80;
	s21 =	simm.s32 $0x100;
	s6 =	sand.u32 $0x1, s3  }
0x5: {  	s22 =	simm.s32 $0x1;
	s3 =	stileid.u32;
	s7 =	smul.u32 $0x4F00, s6  }
0x6: {  	[smem:$0x7FF] =	sst s2;
	s4 =	sadd.s32 $0xCE00, s5;
	s8 =	smul.u32 $0x50000, s3  }
0x7: {  	s15 =	sadd.s32 $0x66C00, s5;
	s9 =	ssub.s32 $0x2, s6;
	s12 =	smul.u32 $0x140000, s6  }
0x8: {  	_ =	strace $0x8000004A;
	s13 =	smul.u32 $0x14000, s3;
	s23 =	sshrl.u32 s9, $0x1  }
0x9: {  	s19 =	smul.u32 $0x4F0, s3;
	s16 =	sadd.s32 s7, s5;
	s6 =	ssub.s32 s9, s23  }
0xa: {  	s24 =	sshrl.u32 s8, $0x2;
	s25 =	sadd.s32 s12, s13;
	s26 =	sadd.s32 $0x4000, s13  }
0xb: {  	s10 =	sadd.s32 $0x8000, s13;
	s14 =	sadd.s32 $0xC000, s13;
	s18 =	sadd.s32 $0x10000, s13  }
0xc: {  	s23 =	simm.s32 $0x4900;
	s5 =	sadd.s32 s24, s1;
	s6 =	smax.u32 s6, $0x1  }
0xd: {  	s7 =	sshrl.u32 s25, $0x3;
	s28 =	sadd.s32 s12, s26;
	s8 =	sadd.s32 s26, s1  }
0xe: {  	s11 =	sadd.s32 s12, s10;
	s10 =	sadd.s32 s10, s1;
	s17 =	sadd.s32 s12, s14  }
0xf: {  	s30 =	sadd.s32 s12, s18;
	s12 =	sadd.s32 s14, s1;
	s14 =	sadd.s32 s18, s1  }
0x10: {  	s31 =	sadd.s32 s19, s16;
	s18 =	simm.s32 $0x4100;
	s19 =	simm.s32 $0x2  }
0x11: {  	s24 =	simm.s32 $0x0;
	s7 =	sadd.s32 s15, s7;
	s9 =	sshrl.u32 s28, $0x3  }
0x12: {  	s11 =	sshrl.u32 s11, $0x3;
	s29 =	sshrl.u32 s17, $0x3;
	s17 =	sshrl.u32 s30, $0x3  }
0x13: {  	s16 =	sadd.s32 $0x3000, s31;
	s9 =	sadd.s32 s15, s9;
	s11 =	sadd.s32 s15, s11  }
0x14: {  	v0 =	vimm.f32 $0.0e+00;
	s13 =	sadd.s32 s15, s29;
	s15 =	sadd.s32 s15, s17;
	s17 =	sadd.s32 $0x5CE00, s31  }
.LBB2_1:
0x15: {  	s25 =	simm.s32 $0x0;
	s26 =	simm.s32 $0x0  }
.LBB2_2:
0x16: {  	p0 =	sne.s32 s26, $0x1FC0  }
.Ltmp0:
0x17: {  	_ = 	snop;
	(pc) =	sbr.rel @p0 .LBB2_2-.Ltmp0, $4  }
0x18: {  	s28 =	sand.u32 $0x1E00, s26  }
0x19: {  	s29 =	sand.u32 $0x70, s25;
	s28 =	sshrl.u32 s28, $0x2  }
0x1a: {  	s28 =	sor.u32 s29, s28  }
0x1b: {  	s25 =	sadd.s32 $0x10, s25;
	s26 =	sadd.s32 $0x40, s26;
	[tilespmem:s28+$0x4100] =	vst v0  }
0x1c: {  	s25 =	sadd.s32 $0x0, s5  }
0x1d: {  	[spmem:s25] =	stream.linear.scatter [tilespmem:s18], [sflag:$0x2], $0x800, $0x38;
	[tilespmem:$0x1C900] =	vst v63  }
0x1e: {  	s25 =	simm.s32 $0x2000;
	_ =	swait.ge [sflag:s19], $0x800  }
.LBB2_4:
0x1f: {  	s26 =	sshra.s32 s25, $0x2;
	[sflag:s19] =	ssyncset.done $0x0;
	p0 =	sne.s32 s25, $0x4E000  }
.Ltmp1:
0x20: {  	s26 =	sadd.s32 s26, s5;
	[sflag:s19] =	ssyncadd.s32 $0xFFFFF800;
	(pc) =	sbr.rel @p0 .LBB2_4-.Ltmp1, $3  }
0x21: {  	[spmem:s26] =	stream.linear.scatter [tilespmem:s18], [sflag:$0x2], $0x800, $0x38;
	[tilespmem:$0x1C900] =	vst v63  }
0x22: {  	s25 =	sadd.s32 $0x2000, s25;
	_ =	sdelay $0x1  }
0x23: {  	_ =	swait.ge [sflag:s19], $0x800  }
0x24: {  	[sflag:s19] =	ssyncset.done $0x0  }
0x25: {  	[sflag:s19] =	ssyncadd.s32 $0xFFFFF800  }
0x26: {  	s25 =	sadd.s32 $0x0, s17;
	[bflag:$0x0] =	sbarrier.arrive $0xFFFF  }
0x27: {  	[tilespmem:s2], [sflag:$0x2] =	stream.linear.gather [hbm4b:s25+s2], $0x80, $0x38;
	[tilespmem:$0x1C900] =	vst v63  }
0x28: {  	_ =	swait.ge [sflag:s19], $0x80  }
0x29: {  	[sflag:s19] =	ssyncset.done $0x0  }
0x2a: {  	s31 =	sadd.s32 $0x0, s16;
	[sflag:s19] =	ssyncadd.s32 $0xFFFFFF80  }
0x2b: {  	[tilespmem:s20], [sflag:$0x2] =	stream.linear.gather [hbm4b:s31+s2], $0x80, $0x38;
	[tilespmem:$0x1C900] =	vst v63  }
0x2c: {  	_ =	swait.ge [sflag:s19], $0x80  }
0x2d: {  	[sflag:s19] =	ssyncset.done $0x0  }
0x2e: {  	[sflag:s19] =	ssyncadd.s32 $0xFFFFFF80  }
0x2f: {  	[tilespmem:s21], [sflag:$0x1] =	stream.indirect.gather [hbm4b:s4+s20], $0x80, s2, s20, $0xb8;
	[tilespmem:$0x1C900] =	vst v63  }
0x30: {  	_ =	swait.ge [sflag:s22], $0x4000  }
0x31: {  	[sflag:s22] =	ssyncset.done $0x0  }
0x32: {  	[sflag:s22] =	ssyncadd.s32 $0xFFFFC000  }
0x33: {  	[spmem:s1] =	stream.indirect.scatter.add.f32 [tilespmem:s21], [sflag:$0x2], $0x80, s20, s20, $0xb8;
	[tilespmem:$0x1C900] =	vst v63  }
0x34: {  	_ =	swait.ge [sflag:s19], $0x4000  }
0x35: {  	s26 =	simm.s32 $0x20;
	s25 =	simm.s32 $0x10;
	[sflag:s19] =	ssyncset.done $0x0  }
.LBB2_6:
0x36: {  	s28 =	sadd.s32 s25, s17  }
0x37: {  	[sflag:s19] =	ssyncadd.s32 $0xFFFFC000;
	s29 =	smov.u32 s26;
	s30 =	sadd.s32 $0x10, s26  }
0x38: {  	[tilespmem:s2], [sflag:$0x2] =	stream.linear.gather [hbm4b:s28+s2], $0x80, $0x38;
	[tilespmem:$0x1C900] =	vst v63  }
0x39: {  	p0 =	sne.s32 s26, $0x4E0;
	_ =	swait.ge [sflag:s19], $0x80  }
0x3a: {  	[sflag:s19] =	ssyncset.done $0x0  }
0x3b: {  	s26 =	sadd.s32 s25, s16;
	s25 =	smov.u32 s29;
	[sflag:s19] =	ssyncadd.s32 $0xFFFFFF80  }
0x3c: {  	[tilespmem:s20], [sflag:$0x2] =	stream.linear.gather [hbm4b:s26+s2], $0x80, $0x38;
	[tilespmem:$0x1C900] =	vst v63  }
0x3d: {  	_ =	swait.ge [sflag:s19], $0x80  }
0x3e: {  	[sflag:s19] =	ssyncset.done $0x0  }
0x3f: {  	[sflag:s19] =	ssyncadd.s32 $0xFFFFFF80  }
0x40: {  	[tilespmem:s21], [sflag:$0x1] =	stream.indirect.gather [hbm4b:s4+s20], $0x80, s2, s20, $0xb8;
	[tilespmem:$0x1C900] =	vst v63  }
0x41: {  	_ =	swait.ge [sflag:s22], $0x4000  }
.Ltmp2:
0x42: {  	[sflag:s22] =	ssyncset.done $0x0;
	(pc) =	sbr.rel @p0 .LBB2_6-.Ltmp2, $4  }
0x43: {  	[sflag:s22] =	ssyncadd.s32 $0xFFFFC000  }
0x44: {  	[spmem:s1] =	stream.indirect.scatter.add.f32 [tilespmem:s21], [sflag:$0x2], $0x80, s20, s20, $0xb8;
	[tilespmem:$0x1C900] =	vst v63  }
0x45: {  	_ =	swait.ge [sflag:s19], $0x4000  }
0x46: {  	s26 =	smov.u32 s30;
	[sflag:s19] =	ssyncset.done $0x0  }
0x47: {  	s26 =	sadd.s32 s25, s17;
	[sflag:s19] =	ssyncadd.s32 $0xFFFFC000  }
0x48: {  	[tilespmem:s2], [sflag:$0x2] =	stream.linear.gather [hbm4b:s26+s2], $0x80, $0x38;
	[tilespmem:$0x1C900] =	vst v63  }
0x49: {  	_ =	swait.ge [sflag:s19], $0x80  }
0x4a: {  	[sflag:s19] =	ssyncset.done $0x0  }
0x4b: {  	s31 =	sadd.s32 s25, s16;
	[sflag:s19] =	ssyncadd.s32 $0xFFFFFF80  }
0x4c: {  	[tilespmem:s20], [sflag:$0x2] =	stream.linear.gather [hbm4b:s31+s2], $0x80, $0x38;
	[tilespmem:$0x1C900] =	vst v63  }
0x4d: {  	_ =	swait.ge [sflag:s19], $0x80  }
0x4e: {  	[sflag:s19] =	ssyncset.done $0x0  }
0x4f: {  	[sflag:s19] =	ssyncadd.s32 $0xFFFFFF80  }
0x50: {  	[tilespmem:s21], [sflag:$0x1] =	stream.indirect.gather [hbm4b:s4+s20], $0x80, s2, s20, $0xb8;
	[tilespmem:$0x1C900] =	vst v63  }
0x51: {  	_ =	swait.ge [sflag:s22], $0x4000  }
0x52: {  	[sflag:s22] =	ssyncset.done $0x0  }
0x53: {  	[sflag:s22] =	ssyncadd.s32 $0xFFFFC000  }
0x54: {  	[spmem:s1] =	stream.indirect.scatter.add.f32 [tilespmem:s21], [sflag:$0x2], $0x80, s20, s20, $0xb8;
	[tilespmem:$0x1C900] =	vst v63  }
0x55: {  	_ =	swait.ge [sflag:s19], $0x4000  }
0x56: {  	[sflag:s19] =	ssyncset.done $0x0  }
0x57: {  	[sflag:s19] =	ssyncadd.s32 $0xFFFFC000  }
0x58: {  	[bflag:$0x0] =	sbarrier.arrive $0xFFFF  }
0x59: {  	[tilespmem:s23], [sflag:$0x2] =	stream.linear.gather [spmem:s5], $0x4000, $0x38;
	[tilespmem:$0x1C900] =	vst v63  }
0x5a: {  	_ =	swait.ge [sflag:s19], $0x4000  }
0x5b: {  	[sflag:s19] =	ssyncset.done $0x0  }
0x5c: {  	[sflag:s19] =	ssyncadd.s32 $0xFFFFC000  }
0x5d: {  	[hbm4b:s7+s2] =	stream.linear.scatter [tilespmem:s23], [sflag:$0x2], $0x4000, $0x38;
	[tilespmem:$0x1C900] =	vst v63  }
0x5e: {  	_ =	swait.ge [sflag:s19], $0x4000  }
0x5f: {  	[sflag:s19] =	ssyncset.done $0x0  }
0x60: {  	[sflag:s19] =	ssyncadd.s32 $0xFFFFC000  }
0x61: {  	[tilespmem:s23], [sflag:$0x2] =	stream.linear.gather [spmem:s8], $0x4000, $0x38;
	[tilespmem:$0x1C900] =	vst v63  }
0x62: {  	_ =	swait.ge [sflag:s19], $0x4000  }
0x63: {  	[sflag:s19] =	ssyncset.done $0x0  }
0x64: {  	[sflag:s19] =	ssyncadd.s32 $0xFFFFC000  }
0x65: {  	[hbm4b:s9+s2] =	stream.linear.scatter [tilespmem:s23], [sflag:$0x2], $0x4000, $0x38;
	[tilespmem:$0x1C900] =	vst v63  }
0x66: {  	_ =	swait.ge [sflag:s19], $0x4000  }
0x67: {  	[sflag:s19] =	ssyncset.done $0x0  }
0x68: {  	[sflag:s19] =	ssyncadd.s32 $0xFFFFC000  }
0x69: {  	[tilespmem:s23], [sflag:$0x2] =	stream.linear.gather [spmem:s10], $0x4000, $0x38;
	[tilespmem:$0x1C900] =	vst v63  }
0x6a: {  	_ =	swait.ge [sflag:s19], $0x4000  }
0x6b: {  	[sflag:s19] =	ssyncset.done $0x0  }
0x6c: {  	[sflag:s19] =	ssyncadd.s32 $0xFFFFC000  }
0x6d: {  	[hbm4b:s11+s2] =	stream.linear.scatter [tilespmem:s23], [sflag:$0x2], $0x4000, $0x38;
	[tilespmem:$0x1C900] =	vst v63  }
0x6e: {  	_ =	swait.ge [sflag:s19], $0x4000  }
0x6f: {  	[sflag:s19] =	ssyncset.done $0x0  }
0x70: {  	[sflag:s19] =	ssyncadd.s32 $0xFFFFC000  }
0x71: {  	[tilespmem:s23], [sflag:$0x2] =	stream.linear.gather [spmem:s12], $0x4000, $0x38;
	[tilespmem:$0x1C900] =	vst v63  }
0x72: {  	_ =	swait.ge [sflag:s19], $0x4000  }
0x73: {  	[sflag:s19] =	ssyncset.done $0x0  }
0x74: {  	[sflag:s19] =	ssyncadd.s32 $0xFFFFC000  }
0x75: {  	[hbm4b:s13+s2] =	stream.linear.scatter [tilespmem:s23], [sflag:$0x2], $0x4000, $0x38;
	[tilespmem:$0x1C900] =	vst v63  }
0x76: {  	_ =	swait.ge [sflag:s19], $0x4000  }
0x77: {  	[sflag:s19] =	ssyncset.done $0x0  }
0x78: {  	[sflag:s19] =	ssyncadd.s32 $0xFFFFC000  }
0x79: {  	[tilespmem:s23], [sflag:$0x2] =	stream.linear.gather [spmem:s14], $0x4000, $0x38;
	[tilespmem:$0x1C900] =	vst v63  }
0x7a: {  	s24 =	sadd.s32 $0x1, s24;
	_ =	swait.ge [sflag:s19], $0x4000  }
0x7b: {  	p0 =	sne.s32 s24, s6;
	[sflag:s19] =	ssyncset.done $0x0  }
.Ltmp3:
0x7c: {  	[sflag:s19] =	ssyncadd.s32 $0xFFFFC000;
	(pc) =	sbr.rel @p0 .LBB2_1-.Ltmp3, $4  }
0x7d: {  	[hbm4b:s15+s2] =	stream.linear.scatter [tilespmem:s23], [sflag:$0x2], $0x4000, $0x38;
	[tilespmem:$0x1C900] =	vst v63  }
0x7e: {  	_ =	swait.ge [sflag:s19], $0x4000  }
0x7f: {  	[sflag:s19] =	ssyncset.done $0x0  }
0x80: {  	[sflag:s19] =	ssyncadd.s32 $0xFFFFC000  }
0x81: {  	_ =	sfence.sel $0x180000  }
0x82: {  	[bflag:$0x0] =	sbarrier.arrive $0xFFFF  }
0x83: {  	p0 =	sne.s32 s3, $0x0;
	_ =	strace $0x9000004A  }
0x84: {  	s0 =	sadd.s32 @!p0 $0x100000, s0;
	[bflag:$0x2] =	sbarrier.arrive $0xFFFF  }
0x85: {  	[sflag:s0] =	ssyncadd.tile.s32 @!p0 $0x1;
	_ =	shalt  }
.Lfunc_end2:
_tile_overlayer_lowered:
.L_overlay_start_2:
0x86: {  	(tag) =	ssettag $0x2  }
0x87: {  	s0 =	rddreg [dreg:$0x0];
	s2 =	stileid.u32  }
0x88: {  	s1 =	rddreg [dreg:$0x1];
	p0 =	sne.s32 s2, $0x0  }
0x89: {  	s3 =	rddreg [dreg:$0x2];
	[bflag:$0x3] =	sbarrier.arrive $0xFFFF;
	s2 =	simm.s32 @!p0 $0x1C02  }
0x8a: {  	[timem:s3], [sflag:s2] =	dma.local @!p0 [hbm:s0], s1  }
0x8b: {  	s0 =	simm.s32 @!p0 $0x2  }
0x8c: {  	_ =	swait.ge @!p0 [sflag:s0], s1  }
0x8d: {  	s1 =	ssub.s32 @!p0 $0x0, s1;
	[sflag:s0] =	ssyncset.done @!p0 $0x0  }
0x8e: {  	[sflag:s0] =	ssyncadd.s32 @!p0 s1  }
0x8f: {  	[bflag:$0x3] =	sbarrier.arrive $0xFFFF  }
0x90: {  	_ =	shalt  }

// kernel: kernel.16.cloned.1.call-start
scs
__scs_entry_jumppad:
0x0: {  	(pc) =	sbr.rel $0x88, $3  }
0x1: {  	(tag) =	ssettag $0x0;
	lr =	simm.s32 $0x1  }
0x2: {  	[smem:$0x3F96] =	sst lr;
	_ =	strace $0xD0000000  }
0x3: {  	_ = 	snop  }
0x4: {  	_ = 	snop  }
0x5: {  	_ = 	snop  }
0x6: {  	_ = 	snop  }
0x7: {  	_ = 	snop  }
__scs_overlays_trampoline_lowered:
0x8: {  	[smem:$0x3FA5] =	sst s0  }
0x9: {  	[smem:$0x3FA6] =	sst s1  }
0xa: {  	[smem:$0x3FA7] =	sst s2  }
0xb: {  	[smem:$0x3FA8] =	sst s3  }
0xc: {  	[smem:$0x3FA9] =	sst s4  }
0xd: {  	[smem:$0x3FAA] =	sst s5  }
0xe: {  	[smem:$0x3FAB] =	sst s6  }
0xf: {  	[smem:$0x3FAC] =	sst s7  }
0x10: {  	[smem:$0x3FAD] =	sst s8  }
0x11: {  	[smem:$0x3FAE] =	sst s9;
	s0 =	simm.s32 @!p0 $0x0  }
0x12: {  	s1 =	sld [smem:$0x3F94];
	s0 =	simm.s32 @p0 $0x1  }
0x13: {  	[smem:$0x3FAF] =	sst s0;
	s0 =	simm.s32 @!p1 $0x0  }
0x14: {  	s2 =	sld [smem:$0x3F93];
	s0 =	simm.s32 @p1 $0x1  }
0x15: {  	[smem:$0x3FB0] =	sst s0;
	s0 =	simm.s32 @!p2 $0x0  }
0x16: {  	s3 =	sld [smem:$0x3FDB];
	s0 =	simm.s32 @p2 $0x1  }
0x17: {  	s4 =	simm.s32 $0x1BF5;
	[smem:$0x3FB2] =	sst s0  }
0x18: {  	s0 =	sld [smem:$0x3F95];
	_ =	swait.ge [sflag:s4], $0x0  }
0x19: {  	s7 =	sld [smem:$0x3F96]  }
0x1a: {  	s8 =	sadd.s32 $0xFFFFE003, lr  }
0x1b: {  	s9 =	sadd.s32 $0xFFFFFEF7, lr;
	s5 =	simm.s32 $0xFFFFFFFF;
	p2 =	slt.u32 s8, $0xFFFFF086  }
0x1c: {  	p1 =	slt.u32 s9, $0xF7A;
	s5 =	simm.s32 @!p2 $0x0  }
0x1d: {  	s5 =	simm.s32 @p1 $0x1;
	p0 =	seq.s32 s7, s2  }
0x1e: {  	s7 =	smul.u32 @!p0 $0xF7A, s2;
	p2 =	seq.s32 @!p0 s5, $0x0  }
0x1f: {  	s9 =	smul.u32 $0xF7A, s1;
	s8 =	simm.s32 @!p0 $0x1BF5;
	p2 =	por !p2, p0  }
0x20: {  	[sflag:s8] =	ssyncset.s32 @!p0 $0xFFFFF086;
	s6 =	sadd.s32 @!p0 s3, s7;
	s7 =	simm.s32 @!p0 $0x108  }
0x21: {  	s3 =	sadd.s32 s3, s9;
	s6 =	sadd.s32 @!p0 $0x88, s6;
	s7 =	simm.s32 @p2 $0x1082  }
0x22: {  	[simem:s7], [sflag:s8] =	dma.local @!p0 [hbm:s6], $0xF7A  }
0x23: {  	s9 =	sor.u32 $0xD0000000, s2;
	s6 =	simm.s32 $0x108;
	_ =	swait.ge @!p0 [sflag:s8], $0x0  }
0x24: {  	s3 =	sadd.s32 $0x88, s3;
	s6 =	simm.s32 @!p1 $0x1082;
	[sflag:s4] =	ssyncset.s32 $0xFFFFF086  }
0x25: {  	[simem:s6], [sflag:s4] =	dma.local [hbm:s3], $0xF7A  }
0x26: {  	[smem:$0x3F96] =	sst s1;
	(tag) =	ssettag s2;
	_ =	strace s9  }
0x27: {  	s1 =	sld [smem:$0x3FA6]  }
0x28: {  	s2 =	sld [smem:$0x3FA7]  }
0x29: {  	s4 =	sld [smem:$0x3FA9]  }
0x2a: {  	p0 =	seq.s32 s5, $0x0;
	s5 =	sld [smem:$0x3FAA]  }
0x2b: {  	s6 =	sld [smem:$0x3FAB]  }
0x2c: {  	s7 =	sld [smem:$0x3FAC]  }
0x2d: {  	s3 =	simm.s32 $0x108;
	s8 =	sld [smem:$0x3FAD]  }
0x2e: {  	s3 =	simm.s32 @!p0 $0x1082;
	s9 =	sld [smem:$0x3FAE]  }
0x2f: {  	lr =	sadd.s32 s0, s3;
	s0 =	sld [smem:$0x3FA5]  }
0x30: {  	s3 =	sld [smem:$0x3FA8]  }
0x31: {  	[smem:$0x3FB1] =	sst s10  }
0x32: {  	s10 =	sld [smem:$0x3FAF];
	_ =	sdelay $0x3  }
0x33: {  	p0 =	seq.s32 s10, $0x1;
	s10 =	sld [smem:$0x3FB1];
	_ =	sdelay $0x3  }
0x34: {  	[smem:$0x3FB1] =	sst s10  }
0x35: {  	s10 =	sld [smem:$0x3FB0];
	_ =	sdelay $0x3  }
0x36: {  	p1 =	seq.s32 s10, $0x1;
	s10 =	sld [smem:$0x3FB1];
	_ =	sdelay $0x3  }
0x37: {  	[smem:$0x3FB1] =	sst s10  }
0x38: {  	s10 =	sld [smem:$0x3FB2]  }
0x39: {  	_ = 	snop;
	(pc) =	sbr.ind lr, $3  }
0x3a: {  	_ = 	snop  }
0x3b: {  	_ = 	snop  }
0x3c: {  	p2 =	seq.s32 s10, $0x1;
	s10 =	sld [smem:$0x3FB1]  }
0x3d: {  	_ =	shalt  }
0x3e: {  	_ =	shalt  }
0x3f: {  	_ =	shalt  }
0x40: {  	_ =	shalt  }
0x41: {  	_ =	shalt  }
0x42: {  	_ =	shalt  }
0x43: {  	_ =	shalt  }
0x44: {  	_ =	shalt  }
0x45: {  	_ =	shalt  }
0x46: {  	_ =	shalt  }
0x47: {  	_ =	shalt  }
0x48: {  	_ =	shalt  }
0x49: {  	_ =	shalt  }
0x4a: {  	_ =	shalt  }
0x4b: {  	_ =	shalt  }
0x4c: {  	_ =	shalt  }
0x4d: {  	_ =	shalt  }
0x4e: {  	_ =	shalt  }
0x4f: {  	_ =	shalt  }
0x50: {  	_ =	shalt  }
0x51: {  	_ =	shalt  }
0x52: {  	_ =	shalt  }
0x53: {  	_ =	shalt  }
0x54: {  	_ =	shalt  }
0x55: {  	_ =	shalt  }
0x56: {  	_ =	shalt  }
0x57: {  	_ =	shalt  }
0x58: {  	_ =	shalt  }
0x59: {  	_ =	shalt  }
0x5a: {  	_ =	shalt  }
0x5b: {  	_ =	shalt  }
0x5c: {  	_ =	shalt  }
0x5d: {  	_ =	shalt  }
0x5e: {  	_ =	shalt  }
0x5f: {  	_ =	shalt  }
0x60: {  	_ =	shalt  }
0x61: {  	_ =	shalt  }
0x62: {  	_ =	shalt  }
0x63: {  	_ =	shalt  }
0x64: {  	_ =	shalt  }
0x65: {  	_ =	shalt  }
0x66: {  	_ =	shalt  }
0x67: {  	_ =	shalt  }
0x68: {  	_ =	shalt  }
0x69: {  	_ =	shalt  }
0x6a: {  	_ =	shalt  }
0x6b: {  	_ =	shalt  }
0x6c: {  	_ =	shalt  }
0x6d: {  	_ =	shalt  }
0x6e: {  	_ =	shalt  }
0x6f: {  	_ =	shalt  }
0x70: {  	_ =	shalt  }
0x71: {  	_ =	shalt  }
0x72: {  	_ =	shalt  }
0x73: {  	_ =	shalt  }
0x74: {  	_ =	shalt  }
0x75: {  	_ =	shalt  }
0x76: {  	_ =	shalt  }
0x77: {  	_ =	shalt  }
0x78: {  	_ =	shalt  }
0x79: {  	_ =	shalt  }
0x7a: {  	_ =	shalt  }
0x7b: {  	_ =	shalt  }
0x7c: {  	_ =	shalt  }
0x7d: {  	_ =	shalt  }
0x7e: {  	_ =	shalt  }
0x7f: {  	_ =	shalt  }
0x80: {  	_ =	shalt  }
0x81: {  	_ =	shalt  }
0x82: {  	_ =	shalt  }
0x83: {  	_ =	shalt  }
0x84: {  	_ =	shalt  }
0x85: {  	_ =	shalt  }
0x86: {  	_ =	shalt  }
0x87: {  	_ =	shalt  }
.Lfunc_end0:
.L_simem_size_0:
called_computation.2_lowered:
.L_overlay_start_0:
0x88: {  	s2 =	sld [smem:$0x3FD9]  }
0x89: {  	s3 =	sld [smem:$0x3FFE];
	_ =	sdelay $0x1  }
0x8a: {  	s1 =	srdreg.scid  }
0x8b: {  	s0 =	sand.u32 $0x1, s1  }
0x8c: {  	s16 =	sshll.u32 s0, $0xA;
	s2 =	sadd.s32 s3, s2  }
0x8d: {  	s2 =	sadd.s32 s2, s16  }
0x8e: {  	[smem:$0x3FBD] =	sst s2  }
0x8f: {  	_ = 	snop  }
0x90: {  	(tm) =	ssettm $0x1  }
0x91: {  	s17 =	sld [smem:$0x3FFB];
	_ =	sdelay $0x3  }
0x92: {  	_ =	strace s17  }
0x93: {  	s2 =	sld [smem:$0x3FFC];
	_ =	sdelay $0x3  }
0x94: {  	_ =	strace s2  }
0x95: {  	s2 =	sld [smem:$0x3FFD];
	_ =	sdelay $0x3  }
0x96: {  	_ =	strace s2  }
0x97: {  	_ =	strace $0x8FFFFFFF  }
0x98: {  	s18 =	sld [smem:$0x3FDB];
	_ =	sdelay $0x1  }
0x99: {  	s19 =	simm.s32 $_scs_section_size  }
0x9a: {  	s4 =	simm.s32 $_size__tile_overlayer_lowered;
	s5 =	simm.s32 $_tile_overlayer_lowered  }
0x9b: {  	s22 =	simm.s32 $0x1BFF;
	s21 =	sshll.u32 s5, $0x1;
	s2 =	sadd.s32 s19, s18  }
0x9c: {  	s6 =	simm.s32 $0x0;
	s20 =	sshll.u32 s4, $0x1;
	s4 =	sadd.s32 s21, s2  }
0x9d: {  	[timem:s6], [sflag:s22] =	dma.local [hbm:s4], s20  }
0x9e: {  	_ =	swait.ge [sflag:s22], s20  }
0x9f: {  	s3 =	ssub.s32 $0x0, s20;
	[sflag:s22] =	ssyncset.done $0x0  }
0xa0: {  	[sflag:s22] =	ssyncadd.s32 s3;
	_ =	sdelay $0x1  }
0xa1: {  	s23 =	simm.s32 $0x1B8B  }
0xa2: {  	_ =	swait.ge [sflag:s23], $0x1  }
0xa3: {  	[sflag:s23] =	ssyncset.done $0x0  }
0xa4: {  	s25 =	simm.s32 $0x1B8E;
	s24 =	sld [smem:$0x3FFE];
	[sflag:s23] =	ssyncadd.s32 $0xFFFFFFFF  }
0xa5: {  	s26 =	simm.s32 $execute0_lowered;
	[smem:$0x3FD2] =	sst s25  }
0xa6: {  	s4 =	sshll.u32 s26, $0x1;
	_ =	strace $0x8000004C;
	[dreg:$0x1] =	wrdreg $0xFFFFFFFF  }
0xa7: {  	s28 =	simm.s32 $_size_execute0_lowered;
	s2 =	sadd.s32 s2, s4;
	[dreg:$0x0] =	wrdreg $0x0  }
0xa8: {  	s4 =	sshll.u32 s28, $0x1;
	[dreg:$0x2] =	wrdreg s2  }
0xa9: {  	[dreg:$0x3] =	wrdreg s4  }
0xaa: {  	[dreg:$0x4] =	wrdreg $0xC0  }
0xab: {  	_ =	task [dreg:s6], $0x5FFFF  }
0xac: {  	[dreg:$0x1] =	wrdreg $0xFFFFFFFF  }
0xad: {  	[dreg:$0x0] =	wrdreg $0x60  }
0xae: {  	[dreg:$0x2] =	wrdreg s24  }
0xaf: {  	[dreg:$0x3] =	wrdreg $0x89000  }
0xb0: {  	[dreg:$0x4] =	wrdreg $0x9  }
0xb1: {  	_ =	task.clear_ibuf [dreg:s6], $0x5FFFF;
	_ =	strace $0x9000004C  }
0xb2: {  	s29 =	simm.s32 $0x9;
	_ =	strace $0x8000004E  }
0xb3: {  	_ =	swait.ge [sflag:s29], $0x1  }
0xb4: {  	[sflag:s29] =	ssyncadd.s32 $0xFFFFFFFF  }
0xb5: {  	_ =	strace $0x9000004E  }
0xb6: {  	_ =	sfence  }
0xb7: {  	s30 =	sld [smem:$0x0];
	_ =	sdelay $0x2  }
0xb8: {  	s31 =	sshll.u32 s1, $0xD;
	s1 =	sshrl.u32 s1, $0x2  }
0xb9: {  	s3 =	sand.u32 $0x4000, s31;
	s1 =	sadd.s32 s1, s30  }
0xba: {  	s0 =	sor.u32 s3, s0;
	s1 =	sshll.u32 s1, $0x11  }
0xbb: {  	s0 =	sor.u32 s1, s0  }
0xbc: {  	s0 =	sadd.s32 $0x8F2B, s0  }
0xbd: {  	[sflag:s0] =	ssyncadd.remote.s32 $0x1  }
0xbe: {  	_ =	sfence.sel $0xFFFF  }
0xbf: {  	[dreg:$0x0] =	wrdreg $0xFFFFFFFF;
	(pc) =	sbr.abs _section_cstart, $3  }
0xc0: {  	[dreg:$0x1] =	wrdreg $0xFFFFFFFF  }
0xc1: {  	_ =	task.clear_ibuf [dreg:s6], $0x2FFFF;
	_ =	strace $0x9FFFFFFF  }
0xc2: {  	(tm) =	ssettm $0x7FFFFFFF  }
0xc3: {  	_ =	shalt  }
tec
execute0_lowered:
.L_overlay_start_1:
0x0: {  	(tag) =	ssettag $0x1  }
0x1: {  	s5 =	rddreg [dreg:$0x0]  }
0x2: {  	s1 =	rddreg [dreg:$0x1]  }
0x3: {  	s0 =	rddreg [dreg:$0x2];
	s2 =	simm.s32 $0x0;
	s3 =	srdreg.scid  }
0x4: {  	s20 =	simm.s32 $0x80;
	s21 =	simm.s32 $0x100;
	s6 =	sand.u32 $0x1, s3  }
0x5: {  	s22 =	simm.s32 $0x1;
	s3 =	stileid.u32;
	s7 =	smul.u32 $0x4F00, s6  }
0x6: {  	[smem:$0x7FF] =	sst s2;
	s4 =	sadd.s32 $0xCE00, s5;
	s8 =	smul.u32 $0x50000, s3  }
0x7: {  	s15 =	sadd.s32 $0x66C00, s5;
	s9 =	ssub.s32 $0x2, s6;
	s12 =	smul.u32 $0x140000, s6  }
0x8: {  	_ =	strace $0x8000004D;
	s13 =	smul.u32 $0x14000, s3;
	s23 =	sshrl.u32 s9, $0x1  }
0x9: {  	s19 =	smul.u32 $0x4F0, s3;
	s16 =	sadd.s32 s7, s5;
	s6 =	ssub.s32 s9, s23  }
0xa: {  	s24 =	sshrl.u32 s8, $0x2;
	s25 =	sadd.s32 s12, s13;
	s26 =	sadd.s32 $0x4000, s13  }
0xb: {  	s10 =	sadd.s32 $0x8000, s13;
	s14 =	sadd.s32 $0xC000, s13;
	s18 =	sadd.s32 $0x10000, s13  }
0xc: {  	s23 =	simm.s32 $0x4900;
	s5 =	sadd.s32 s24, s1;
	s6 =	smax.u32 s6, $0x1  }
0xd: {  	s7 =	sshrl.u32 s25, $0x3;
	s28 =	sadd.s32 s12, s26;
	s8 =	sadd.s32 s26, s1  }
0xe: {  	s11 =	sadd.s32 s12, s10;
	s10 =	sadd.s32 s10, s1;
	s17 =	sadd.s32 s12, s14  }
0xf: {  	s30 =	sadd.s32 s12, s18;
	s12 =	sadd.s32 s14, s1;
	s14 =	sadd.s32 s18, s1  }
0x10: {  	s31 =	sadd.s32 s19, s16;
	s18 =	simm.s32 $0x4100;
	s19 =	simm.s32 $0x2  }
0x11: {  	s24 =	simm.s32 $0x0;
	s7 =	sadd.s32 s15, s7;
	s9 =	sshrl.u32 s28, $0x3  }
0x12: {  	s11 =	sshrl.u32 s11, $0x3;
	s29 =	sshrl.u32 s17, $0x3;
	s17 =	sshrl.u32 s30, $0x3  }
0x13: {  	s16 =	sadd.s32 $0x3000, s31;
	s9 =	sadd.s32 s15, s9;
	s11 =	sadd.s32 s15, s11  }
0x14: {  	v0 =	vimm.f32 $0.0e+00;
	s13 =	sadd.s32 s15, s29;
	s15 =	sadd.s32 s15, s17;
	s17 =	sadd.s32 $0x5CE00, s31  }
.LBB2_1:
0x15: {  	s25 =	simm.s32 $0x0;
	s26 =	simm.s32 $0x0  }
.LBB2_2:
0x16: {  	p0 =	sne.s32 s26, $0x1FC0  }
.Ltmp0:
0x17: {  	_ = 	snop;
	(pc) =	sbr.rel @p0 .LBB2_2-.Ltmp0, $4  }
0x18: {  	s28 =	sand.u32 $0x1E00, s26  }
0x19: {  	s29 =	sand.u32 $0x70, s25;
	s28 =	sshrl.u32 s28, $0x2  }
0x1a: {  	s28 =	sor.u32 s29, s28  }
0x1b: {  	s25 =	sadd.s32 $0x10, s25;
	s26 =	sadd.s32 $0x40, s26;
	[tilespmem:s28+$0x4100] =	vst v0  }
0x1c: {  	s25 =	sadd.s32 $0x0, s5  }
0x1d: {  	[spmem:s25] =	stream.linear.scatter [tilespmem:s18], [sflag:$0x2], $0x800, $0x38;
	[tilespmem:$0x1C900] =	vst v63  }
0x1e: {  	s25 =	simm.s32 $0x2000;
	_ =	swait.ge [sflag:s19], $0x800  }
.LBB2_4:
0x1f: {  	s26 =	sshra.s32 s25, $0x2;
	[sflag:s19] =	ssyncset.done $0x0;
	p0 =	sne.s32 s25, $0x4E000  }
.Ltmp1:
0x20: {  	s26 =	sadd.s32 s26, s5;
	[sflag:s19] =	ssyncadd.s32 $0xFFFFF800;
	(pc) =	sbr.rel @p0 .LBB2_4-.Ltmp1, $3  }
0x21: {  	[spmem:s26] =	stream.linear.scatter [tilespmem:s18], [sflag:$0x2], $0x800, $0x38;
	[tilespmem:$0x1C900] =	vst v63  }
0x22: {  	s25 =	sadd.s32 $0x2000, s25;
	_ =	sdelay $0x1  }
0x23: {  	_ =	swait.ge [sflag:s19], $0x800  }
0x24: {  	[sflag:s19] =	ssyncset.done $0x0  }
0x25: {  	[sflag:s19] =	ssyncadd.s32 $0xFFFFF800  }
0x26: {  	s25 =	sadd.s32 $0x0, s17;
	[bflag:$0x0] =	sbarrier.arrive $0xFFFF  }
0x27: {  	[tilespmem:s2], [sflag:$0x2] =	stream.linear.gather [hbm4b:s25+s2], $0x80, $0x38;
	[tilespmem:$0x1C900] =	vst v63  }
0x28: {  	_ =	swait.ge [sflag:s19], $0x80  }
0x29: {  	[sflag:s19] =	ssyncset.done $0x0  }
0x2a: {  	s31 =	sadd.s32 $0x0, s16;
	[sflag:s19] =	ssyncadd.s32 $0xFFFFFF80  }
0x2b: {  	[tilespmem:s20], [sflag:$0x2] =	stream.linear.gather [hbm4b:s31+s2], $0x80, $0x38;
	[tilespmem:$0x1C900] =	vst v63  }
0x2c: {  	_ =	swait.ge [sflag:s19], $0x80  }
0x2d: {  	[sflag:s19] =	ssyncset.done $0x0  }
0x2e: {  	[sflag:s19] =	ssyncadd.s32 $0xFFFFFF80  }
0x2f: {  	[tilespmem:s21], [sflag:$0x1] =	stream.indirect.gather [hbm4b:s4+s20], $0x80, s2, s20, $0xb8;
	[tilespmem:$0x1C900] =	vst v63  }
0x30: {  	_ =	swait.ge [sflag:s22], $0x4000  }
0x31: {  	[sflag:s22] =	ssyncset.done $0x0  }
0x32: {  	[sflag:s22] =	ssyncadd.s32 $0xFFFFC000  }
0x33: {  	[spmem:s1] =	stream.indirect.scatter.add.f32 [tilespmem:s21], [sflag:$0x2], $0x80, s20, s20, $0xb8;
	[tilespmem:$0x1C900] =	vst v63  }
0x34: {  	_ =	swait.ge [sflag:s19], $0x4000  }
0x35: {  	s26 =	simm.s32 $0x20;
	s25 =	simm.s32 $0x10;
	[sflag:s19] =	ssyncset.done $0x0  }
.LBB2_6:
0x36: {  	s28 =	sadd.s32 s25, s17  }
0x37: {  	[sflag:s19] =	ssyncadd.s32 $0xFFFFC000;
	s29 =	smov.u32 s26;
	s30 =	sadd.s32 $0x10, s26  }
0x38: {  	[tilespmem:s2], [sflag:$0x2] =	stream.linear.gather [hbm4b:s28+s2], $0x80, $0x38;
	[tilespmem:$0x1C900] =	vst v63  }
0x39: {  	p0 =	sne.s32 s26, $0x4E0;
	_ =	swait.ge [sflag:s19], $0x80  }
0x3a: {  	[sflag:s19] =	ssyncset.done $0x0  }
0x3b: {  	s26 =	sadd.s32 s25, s16;
	s25 =	smov.u32 s29;
	[sflag:s19] =	ssyncadd.s32 $0xFFFFFF80  }
0x3c: {  	[tilespmem:s20], [sflag:$0x2] =	stream.linear.gather [hbm4b:s26+s2], $0x80, $0x38;
	[tilespmem:$0x1C900] =	vst v63  }
0x3d: {  	_ =	swait.ge [sflag:s19], $0x80  }
0x3e: {  	[sflag:s19] =	ssyncset.done $0x0  }
0x3f: {  	[sflag:s19] =	ssyncadd.s32 $0xFFFFFF80  }
0x40: {  	[tilespmem:s21], [sflag:$0x1] =	stream.indirect.gather [hbm4b:s4+s20], $0x80, s2, s20, $0xb8;
	[tilespmem:$0x1C900] =	vst v63  }
0x41: {  	_ =	swait.ge [sflag:s22], $0x4000  }
.Ltmp2:
0x42: {  	[sflag:s22] =	ssyncset.done $0x0;
	(pc) =	sbr.rel @p0 .LBB2_6-.Ltmp2, $4  }
0x43: {  	[sflag:s22] =	ssyncadd.s32 $0xFFFFC000  }
0x44: {  	[spmem:s1] =	stream.indirect.scatter.add.f32 [tilespmem:s21], [sflag:$0x2], $0x80, s20, s20, $0xb8;
	[tilespmem:$0x1C900] =	vst v63  }
0x45: {  	_ =	swait.ge [sflag:s19], $0x4000  }
0x46: {  	s26 =	smov.u32 s30;
	[sflag:s19] =	ssyncset.done $0x0  }
0x47: {  	s26 =	sadd.s32 s25, s17;
	[sflag:s19] =	ssyncadd.s32 $0xFFFFC000  }
0x48: {  	[tilespmem:s2], [sflag:$0x2] =	stream.linear.gather [hbm4b:s26+s2], $0x80, $0x38;
	[tilespmem:$0x1C900] =	vst v63  }
0x49: {  	_ =	swait.ge [sflag:s19], $0x80  }
0x4a: {  	[sflag:s19] =	ssyncset.done $0x0  }
0x4b: {  	s31 =	sadd.s32 s25, s16;
	[sflag:s19] =	ssyncadd.s32 $0xFFFFFF80  }
0x4c: {  	[tilespmem:s20], [sflag:$0x2] =	stream.linear.gather [hbm4b:s31+s2], $0x80, $0x38;
	[tilespmem:$0x1C900] =	vst v63  }
0x4d: {  	_ =	swait.ge [sflag:s19], $0x80  }
0x4e: {  	[sflag:s19] =	ssyncset.done $0x0  }
0x4f: {  	[sflag:s19] =	ssyncadd.s32 $0xFFFFFF80  }
0x50: {  	[tilespmem:s21], [sflag:$0x1] =	stream.indirect.gather [hbm4b:s4+s20], $0x80, s2, s20, $0xb8;
	[tilespmem:$0x1C900] =	vst v63  }
0x51: {  	_ =	swait.ge [sflag:s22], $0x4000  }
0x52: {  	[sflag:s22] =	ssyncset.done $0x0  }
0x53: {  	[sflag:s22] =	ssyncadd.s32 $0xFFFFC000  }
0x54: {  	[spmem:s1] =	stream.indirect.scatter.add.f32 [tilespmem:s21], [sflag:$0x2], $0x80, s20, s20, $0xb8;
	[tilespmem:$0x1C900] =	vst v63  }
0x55: {  	_ =	swait.ge [sflag:s19], $0x4000  }
0x56: {  	[sflag:s19] =	ssyncset.done $0x0  }
0x57: {  	[sflag:s19] =	ssyncadd.s32 $0xFFFFC000  }
0x58: {  	[bflag:$0x0] =	sbarrier.arrive $0xFFFF  }
0x59: {  	[tilespmem:s23], [sflag:$0x2] =	stream.linear.gather [spmem:s5], $0x4000, $0x38;
	[tilespmem:$0x1C900] =	vst v63  }
0x5a: {  	_ =	swait.ge [sflag:s19], $0x4000  }
0x5b: {  	[sflag:s19] =	ssyncset.done $0x0  }
0x5c: {  	[sflag:s19] =	ssyncadd.s32 $0xFFFFC000  }
0x5d: {  	[hbm4b:s7+s2] =	stream.linear.scatter [tilespmem:s23], [sflag:$0x2], $0x4000, $0x38;
	[tilespmem:$0x1C900] =	vst v63  }
0x5e: {  	_ =	swait.ge [sflag:s19], $0x4000  }
0x5f: {  	[sflag:s19] =	ssyncset.done $0x0  }
0x60: {  	[sflag:s19] =	ssyncadd.s32 $0xFFFFC000  }
0x61: {  	[tilespmem:s23], [sflag:$0x2] =	stream.linear.gather [spmem:s8], $0x4000, $0x38;
	[tilespmem:$0x1C900] =	vst v63  }
0x62: {  	_ =	swait.ge [sflag:s19], $0x4000  }
0x63: {  	[sflag:s19] =	ssyncset.done $0x0  }
0x64: {  	[sflag:s19] =	ssyncadd.s32 $0xFFFFC000  }
0x65: {  	[hbm4b:s9+s2] =	stream.linear.scatter [tilespmem:s23], [sflag:$0x2], $0x4000, $0x38;
	[tilespmem:$0x1C900] =	vst v63  }
0x66: {  	_ =	swait.ge [sflag:s19], $0x4000  }
0x67: {  	[sflag:s19] =	ssyncset.done $0x0  }
0x68: {  	[sflag:s19] =	ssyncadd.s32 $0xFFFFC000  }
0x69: {  	[tilespmem:s23], [sflag:$0x2] =	stream.linear.gather [spmem:s10], $0x4000, $0x38;
	[tilespmem:$0x1C900] =	vst v63  }
0x6a: {  	_ =	swait.ge [sflag:s19], $0x4000  }
0x6b: {  	[sflag:s19] =	ssyncset.done $0x0  }
0x6c: {  	[sflag:s19] =	ssyncadd.s32 $0xFFFFC000  }
0x6d: {  	[hbm4b:s11+s2] =	stream.linear.scatter [tilespmem:s23], [sflag:$0x2], $0x4000, $0x38;
	[tilespmem:$0x1C900] =	vst v63  }
0x6e: {  	_ =	swait.ge [sflag:s19], $0x4000  }
0x6f: {  	[sflag:s19] =	ssyncset.done $0x0  }
0x70: {  	[sflag:s19] =	ssyncadd.s32 $0xFFFFC000  }
0x71: {  	[tilespmem:s23], [sflag:$0x2] =	stream.linear.gather [spmem:s12], $0x4000, $0x38;
	[tilespmem:$0x1C900] =	vst v63  }
0x72: {  	_ =	swait.ge [sflag:s19], $0x4000  }
0x73: {  	[sflag:s19] =	ssyncset.done $0x0  }
0x74: {  	[sflag:s19] =	ssyncadd.s32 $0xFFFFC000  }
0x75: {  	[hbm4b:s13+s2] =	stream.linear.scatter [tilespmem:s23], [sflag:$0x2], $0x4000, $0x38;
	[tilespmem:$0x1C900] =	vst v63  }
0x76: {  	_ =	swait.ge [sflag:s19], $0x4000  }
0x77: {  	[sflag:s19] =	ssyncset.done $0x0  }
0x78: {  	[sflag:s19] =	ssyncadd.s32 $0xFFFFC000  }
0x79: {  	[tilespmem:s23], [sflag:$0x2] =	stream.linear.gather [spmem:s14], $0x4000, $0x38;
	[tilespmem:$0x1C900] =	vst v63  }
0x7a: {  	s24 =	sadd.s32 $0x1, s24;
	_ =	swait.ge [sflag:s19], $0x4000  }
0x7b: {  	p0 =	sne.s32 s24, s6;
	[sflag:s19] =	ssyncset.done $0x0  }
.Ltmp3:
0x7c: {  	[sflag:s19] =	ssyncadd.s32 $0xFFFFC000;
	(pc) =	sbr.rel @p0 .LBB2_1-.Ltmp3, $4  }
0x7d: {  	[hbm4b:s15+s2] =	stream.linear.scatter [tilespmem:s23], [sflag:$0x2], $0x4000, $0x38;
	[tilespmem:$0x1C900] =	vst v63  }
0x7e: {  	_ =	swait.ge [sflag:s19], $0x4000  }
0x7f: {  	[sflag:s19] =	ssyncset.done $0x0  }
0x80: {  	[sflag:s19] =	ssyncadd.s32 $0xFFFFC000  }
0x81: {  	_ =	sfence.sel $0x180000  }
0x82: {  	[bflag:$0x0] =	sbarrier.arrive $0xFFFF  }
0x83: {  	p0 =	sne.s32 s3, $0x0;
	_ =	strace $0x9000004D  }
0x84: {  	s0 =	sadd.s32 @!p0 $0x100000, s0;
	[bflag:$0x2] =	sbarrier.arrive $0xFFFF  }
0x85: {  	[sflag:s0] =	ssyncadd.tile.s32 @!p0 $0x1;
	_ =	shalt  }
.Lfunc_end2:
_tile_overlayer_lowered:
.L_overlay_start_2:
0x86: {  	(tag) =	ssettag $0x2  }
0x87: {  	s0 =	rddreg [dreg:$0x0];
	s2 =	stileid.u32  }
0x88: {  	s1 =	rddreg [dreg:$0x1];
	p0 =	sne.s32 s2, $0x0  }
0x89: {  	s3 =	rddreg [dreg:$0x2];
	[bflag:$0x3] =	sbarrier.arrive $0xFFFF;
	s2 =	simm.s32 @!p0 $0x1C02  }
0x8a: {  	[timem:s3], [sflag:s2] =	dma.local @!p0 [hbm:s0], s1  }
0x8b: {  	s0 =	simm.s32 @!p0 $0x2  }
0x8c: {  	_ =	swait.ge @!p0 [sflag:s0], s1  }
0x8d: {  	s1 =	ssub.s32 @!p0 $0x0, s1;
	[sflag:s0] =	ssyncset.done @!p0 $0x0  }
0x8e: {  	[sflag:s0] =	ssyncadd.s32 @!p0 s1  }
0x8f: {  	[bflag:$0x3] =	sbarrier.arrive $0xFFFF  }
0x90: {  	_ =	shalt  }

// kernel: kernel.19.cloned.1.call-start
scs
__scs_entry_jumppad:
0x0: {  	(pc) =	sbr.rel $0x88, $3  }
0x1: {  	(tag) =	ssettag $0x0;
	lr =	simm.s32 $0x1  }
0x2: {  	[smem:$0x3F96] =	sst lr;
	_ =	strace $0xD0000000  }
0x3: {  	_ = 	snop  }
0x4: {  	_ = 	snop  }
0x5: {  	_ = 	snop  }
0x6: {  	_ = 	snop  }
0x7: {  	_ = 	snop  }
__scs_overlays_trampoline_lowered:
0x8: {  	[smem:$0x3FA5] =	sst s0  }
0x9: {  	[smem:$0x3FA6] =	sst s1  }
0xa: {  	[smem:$0x3FA7] =	sst s2  }
0xb: {  	[smem:$0x3FA8] =	sst s3  }
0xc: {  	[smem:$0x3FA9] =	sst s4  }
0xd: {  	[smem:$0x3FAA] =	sst s5  }
0xe: {  	[smem:$0x3FAB] =	sst s6  }
0xf: {  	[smem:$0x3FAC] =	sst s7  }
0x10: {  	[smem:$0x3FAD] =	sst s8  }
0x11: {  	[smem:$0x3FAE] =	sst s9;
	s0 =	simm.s32 @!p0 $0x0  }
0x12: {  	s1 =	sld [smem:$0x3F94];
	s0 =	simm.s32 @p0 $0x1  }
0x13: {  	[smem:$0x3FAF] =	sst s0;
	s0 =	simm.s32 @!p1 $0x0  }
0x14: {  	s2 =	sld [smem:$0x3F93];
	s0 =	simm.s32 @p1 $0x1  }
0x15: {  	[smem:$0x3FB0] =	sst s0;
	s0 =	simm.s32 @!p2 $0x0  }
0x16: {  	s3 =	sld [smem:$0x3FDB];
	s0 =	simm.s32 @p2 $0x1  }
0x17: {  	s4 =	simm.s32 $0x1BF5;
	[smem:$0x3FB2] =	sst s0  }
0x18: {  	s0 =	sld [smem:$0x3F95];
	_ =	swait.ge [sflag:s4], $0x0  }
0x19: {  	s7 =	sld [smem:$0x3F96]  }
0x1a: {  	s8 =	sadd.s32 $0xFFFFE003, lr  }
0x1b: {  	s9 =	sadd.s32 $0xFFFFFEF7, lr;
	s5 =	simm.s32 $0xFFFFFFFF;
	p2 =	slt.u32 s8, $0xFFFFF086  }
0x1c: {  	p1 =	slt.u32 s9, $0xF7A;
	s5 =	simm.s32 @!p2 $0x0  }
0x1d: {  	s5 =	simm.s32 @p1 $0x1;
	p0 =	seq.s32 s7, s2  }
0x1e: {  	s7 =	smul.u32 @!p0 $0xF7A, s2;
	p2 =	seq.s32 @!p0 s5, $0x0  }
0x1f: {  	s9 =	smul.u32 $0xF7A, s1;
	s8 =	simm.s32 @!p0 $0x1BF5;
	p2 =	por !p2, p0  }
0x20: {  	[sflag:s8] =	ssyncset.s32 @!p0 $0xFFFFF086;
	s6 =	sadd.s32 @!p0 s3, s7;
	s7 =	simm.s32 @!p0 $0x108  }
0x21: {  	s3 =	sadd.s32 s3, s9;
	s6 =	sadd.s32 @!p0 $0x88, s6;
	s7 =	simm.s32 @p2 $0x1082  }
0x22: {  	[simem:s7], [sflag:s8] =	dma.local @!p0 [hbm:s6], $0xF7A  }
0x23: {  	s9 =	sor.u32 $0xD0000000, s2;
	s6 =	simm.s32 $0x108;
	_ =	swait.ge @!p0 [sflag:s8], $0x0  }
0x24: {  	s3 =	sadd.s32 $0x88, s3;
	s6 =	simm.s32 @!p1 $0x1082;
	[sflag:s4] =	ssyncset.s32 $0xFFFFF086  }
0x25: {  	[simem:s6], [sflag:s4] =	dma.local [hbm:s3], $0xF7A  }
0x26: {  	[smem:$0x3F96] =	sst s1;
	(tag) =	ssettag s2;
	_ =	strace s9  }
0x27: {  	s1 =	sld [smem:$0x3FA6]  }
0x28: {  	s2 =	sld [smem:$0x3FA7]  }
0x29: {  	s4 =	sld [smem:$0x3FA9]  }
0x2a: {  	p0 =	seq.s32 s5, $0x0;
	s5 =	sld [smem:$0x3FAA]  }
0x2b: {  	s6 =	sld [smem:$0x3FAB]  }
0x2c: {  	s7 =	sld [smem:$0x3FAC]  }
0x2d: {  	s3 =	simm.s32 $0x108;
	s8 =	sld [smem:$0x3FAD]  }
0x2e: {  	s3 =	simm.s32 @!p0 $0x1082;
	s9 =	sld [smem:$0x3FAE]  }
0x2f: {  	lr =	sadd.s32 s0, s3;
	s0 =	sld [smem:$0x3FA5]  }
0x30: {  	s3 =	sld [smem:$0x3FA8]  }
0x31: {  	[smem:$0x3FB1] =	sst s10  }
0x32: {  	s10 =	sld [smem:$0x3FAF];
	_ =	sdelay $0x3  }
0x33: {  	p0 =	seq.s32 s10, $0x1;
	s10 =	sld [smem:$0x3FB1];
	_ =	sdelay $0x3  }
0x34: {  	[smem:$0x3FB1] =	sst s10  }
0x35: {  	s10 =	sld [smem:$0x3FB0];
	_ =	sdelay $0x3  }
0x36: {  	p1 =	seq.s32 s10, $0x1;
	s10 =	sld [smem:$0x3FB1];
	_ =	sdelay $0x3  }
0x37: {  	[smem:$0x3FB1] =	sst s10  }
0x38: {  	s10 =	sld [smem:$0x3FB2]  }
0x39: {  	_ = 	snop;
	(pc) =	sbr.ind lr, $3  }
0x3a: {  	_ = 	snop  }
0x3b: {  	_ = 	snop  }
0x3c: {  	p2 =	seq.s32 s10, $0x1;
	s10 =	sld [smem:$0x3FB1]  }
0x3d: {  	_ =	shalt  }
0x3e: {  	_ =	shalt  }
0x3f: {  	_ =	shalt  }
0x40: {  	_ =	shalt  }
0x41: {  	_ =	shalt  }
0x42: {  	_ =	shalt  }
0x43: {  	_ =	shalt  }
0x44: {  	_ =	shalt  }
0x45: {  	_ =	shalt  }
0x46: {  	_ =	shalt  }
0x47: {  	_ =	shalt  }
0x48: {  	_ =	shalt  }
0x49: {  	_ =	shalt  }
0x4a: {  	_ =	shalt  }
0x4b: {  	_ =	shalt  }
0x4c: {  	_ =	shalt  }
0x4d: {  	_ =	shalt  }
0x4e: {  	_ =	shalt  }
0x4f: {  	_ =	shalt  }
0x50: {  	_ =	shalt  }
0x51: {  	_ =	shalt  }
0x52: {  	_ =	shalt  }
0x53: {  	_ =	shalt  }
0x54: {  	_ =	shalt  }
0x55: {  	_ =	shalt  }
0x56: {  	_ =	shalt  }
0x57: {  	_ =	shalt  }
0x58: {  	_ =	shalt  }
0x59: {  	_ =	shalt  }
0x5a: {  	_ =	shalt  }
0x5b: {  	_ =	shalt  }
0x5c: {  	_ =	shalt  }
0x5d: {  	_ =	shalt  }
0x5e: {  	_ =	shalt  }
0x5f: {  	_ =	shalt  }
0x60: {  	_ =	shalt  }
0x61: {  	_ =	shalt  }
0x62: {  	_ =	shalt  }
0x63: {  	_ =	shalt  }
0x64: {  	_ =	shalt  }
0x65: {  	_ =	shalt  }
0x66: {  	_ =	shalt  }
0x67: {  	_ =	shalt  }
0x68: {  	_ =	shalt  }
0x69: {  	_ =	shalt  }
0x6a: {  	_ =	shalt  }
0x6b: {  	_ =	shalt  }
0x6c: {  	_ =	shalt  }
0x6d: {  	_ =	shalt  }
0x6e: {  	_ =	shalt  }
0x6f: {  	_ =	shalt  }
0x70: {  	_ =	shalt  }
0x71: {  	_ =	shalt  }
0x72: {  	_ =	shalt  }
0x73: {  	_ =	shalt  }
0x74: {  	_ =	shalt  }
0x75: {  	_ =	shalt  }
0x76: {  	_ =	shalt  }
0x77: {  	_ =	shalt  }
0x78: {  	_ =	shalt  }
0x79: {  	_ =	shalt  }
0x7a: {  	_ =	shalt  }
0x7b: {  	_ =	shalt  }
0x7c: {  	_ =	shalt  }
0x7d: {  	_ =	shalt  }
0x7e: {  	_ =	shalt  }
0x7f: {  	_ =	shalt  }
0x80: {  	_ =	shalt  }
0x81: {  	_ =	shalt  }
0x82: {  	_ =	shalt  }
0x83: {  	_ =	shalt  }
0x84: {  	_ =	shalt  }
0x85: {  	_ =	shalt  }
0x86: {  	_ =	shalt  }
0x87: {  	_ =	shalt  }
.Lfunc_end0:
.L_simem_size_0:
called_computation.3_lowered:
.L_overlay_start_0:
0x88: {  	s2 =	sld [smem:$0x3FD9]  }
0x89: {  	s3 =	sld [smem:$0x3FFE];
	_ =	sdelay $0x1  }
0x8a: {  	s1 =	srdreg.scid  }
0x8b: {  	s0 =	sand.u32 $0x1, s1  }
0x8c: {  	s16 =	sshll.u32 s0, $0xA;
	s2 =	sadd.s32 s3, s2  }
0x8d: {  	s2 =	sadd.s32 s2, s16  }
0x8e: {  	[smem:$0x3FBD] =	sst s2  }
0x8f: {  	_ = 	snop  }
0x90: {  	(tm) =	ssettm $0x1  }
0x91: {  	s17 =	sld [smem:$0x3FFB];
	_ =	sdelay $0x3  }
0x92: {  	_ =	strace s17  }
0x93: {  	s2 =	sld [smem:$0x3FFC];
	_ =	sdelay $0x3  }
0x94: {  	_ =	strace s2  }
0x95: {  	s2 =	sld [smem:$0x3FFD];
	_ =	sdelay $0x3  }
0x96: {  	_ =	strace s2  }
0x97: {  	_ =	strace $0x8FFFFFFF  }
0x98: {  	s18 =	sld [smem:$0x3FDB];
	_ =	sdelay $0x1  }
0x99: {  	s19 =	simm.s32 $_scs_section_size  }
0x9a: {  	s4 =	simm.s32 $_size__tile_overlayer_lowered;
	s5 =	simm.s32 $_tile_overlayer_lowered  }
0x9b: {  	s22 =	simm.s32 $0x1BFF;
	s21 =	sshll.u32 s5, $0x1;
	s2 =	sadd.s32 s19, s18  }
0x9c: {  	s6 =	simm.s32 $0x0;
	s20 =	sshll.u32 s4, $0x1;
	s4 =	sadd.s32 s21, s2  }
0x9d: {  	[timem:s6], [sflag:s22] =	dma.local [hbm:s4], s20  }
0x9e: {  	_ =	swait.ge [sflag:s22], s20  }
0x9f: {  	s3 =	ssub.s32 $0x0, s20;
	[sflag:s22] =	ssyncset.done $0x0  }
0xa0: {  	[sflag:s22] =	ssyncadd.s32 s3;
	_ =	sdelay $0x1  }
0xa1: {  	s23 =	simm.s32 $0x1B8B  }
0xa2: {  	_ =	swait.ge [sflag:s23], $0x1  }
0xa3: {  	[sflag:s23] =	ssyncset.done $0x0  }
0xa4: {  	s25 =	simm.s32 $0x1B8E;
	s24 =	sld [smem:$0x3FFE];
	[sflag:s23] =	ssyncadd.s32 $0xFFFFFFFF  }
0xa5: {  	s26 =	simm.s32 $execute0_lowered;
	[smem:$0x3FD2] =	sst s25  }
0xa6: {  	s4 =	sshll.u32 s26, $0x1;
	_ =	strace $0x8000004F;
	[dreg:$0x1] =	wrdreg $0xFFFFFFFF  }
0xa7: {  	s28 =	simm.s32 $_size_execute0_lowered;
	s2 =	sadd.s32 s2, s4;
	[dreg:$0x0] =	wrdreg $0x0  }
0xa8: {  	s4 =	sshll.u32 s28, $0x1;
	[dreg:$0x2] =	wrdreg s2  }
0xa9: {  	[dreg:$0x3] =	wrdreg s4  }
0xaa: {  	[dreg:$0x4] =	wrdreg $0xC0  }
0xab: {  	_ =	task [dreg:s6], $0x5FFFF  }
0xac: {  	[dreg:$0x1] =	wrdreg $0xFFFFFFFF  }
0xad: {  	[dreg:$0x0] =	wrdreg $0x60  }
0xae: {  	[dreg:$0x2] =	wrdreg s24  }
0xaf: {  	[dreg:$0x3] =	wrdreg $0x89000  }
0xb0: {  	[dreg:$0x4] =	wrdreg $0x9  }
0xb1: {  	_ =	task.clear_ibuf [dreg:s6], $0x5FFFF;
	_ =	strace $0x9000004F  }
0xb2: {  	s29 =	simm.s32 $0x9;
	_ =	strace $0x80000051  }
0xb3: {  	_ =	swait.ge [sflag:s29], $0x1  }
0xb4: {  	[sflag:s29] =	ssyncadd.s32 $0xFFFFFFFF  }
0xb5: {  	_ =	strace $0x90000051  }
0xb6: {  	_ =	sfence  }
0xb7: {  	s30 =	sld [smem:$0x0];
	_ =	sdelay $0x2  }
0xb8: {  	s31 =	sshll.u32 s1, $0xD;
	s1 =	sshrl.u32 s1, $0x2  }
0xb9: {  	s3 =	sand.u32 $0x4000, s31;
	s1 =	sadd.s32 s1, s30  }
0xba: {  	s0 =	sor.u32 s3, s0;
	s1 =	sshll.u32 s1, $0x11  }
0xbb: {  	s0 =	sor.u32 s1, s0  }
0xbc: {  	s0 =	sadd.s32 $0x8F2B, s0  }
0xbd: {  	[sflag:s0] =	ssyncadd.remote.s32 $0x1  }
0xbe: {  	_ =	sfence.sel $0xFFFF  }
0xbf: {  	[dreg:$0x0] =	wrdreg $0xFFFFFFFF;
	(pc) =	sbr.abs _section_cstart, $3  }
0xc0: {  	[dreg:$0x1] =	wrdreg $0xFFFFFFFF  }
0xc1: {  	_ =	task.clear_ibuf [dreg:s6], $0x2FFFF;
	_ =	strace $0x9FFFFFFF  }
0xc2: {  	(tm) =	ssettm $0x7FFFFFFF  }
0xc3: {  	_ =	shalt  }
tec
execute0_lowered:
.L_overlay_start_1:
0x0: {  	(tag) =	ssettag $0x1  }
0x1: {  	s5 =	rddreg [dreg:$0x0]  }
0x2: {  	s1 =	rddreg [dreg:$0x1]  }
0x3: {  	s0 =	rddreg [dreg:$0x2];
	s2 =	simm.s32 $0x0;
	s3 =	srdreg.scid  }
0x4: {  	s20 =	simm.s32 $0x80;
	s21 =	simm.s32 $0x100;
	s6 =	sand.u32 $0x1, s3  }
0x5: {  	s22 =	simm.s32 $0x1;
	s3 =	stileid.u32;
	s7 =	smul.u32 $0x4F00, s6  }
0x6: {  	[smem:$0x7FF] =	sst s2;
	s4 =	sadd.s32 $0xCE00, s5;
	s8 =	smul.u32 $0x50000, s3  }
0x7: {  	s15 =	sadd.s32 $0x66C00, s5;
	s9 =	ssub.s32 $0x2, s6;
	s12 =	smul.u32 $0x140000, s6  }
0x8: {  	_ =	strace $0x80000050;
	s13 =	smul.u32 $0x14000, s3;
	s23 =	sshrl.u32 s9, $0x1  }
0x9: {  	s19 =	smul.u32 $0x4F0, s3;
	s16 =	sadd.s32 s7, s5;
	s6 =	ssub.s32 s9, s23  }
0xa: {  	s24 =	sshrl.u32 s8, $0x2;
	s25 =	sadd.s32 s12, s13;
	s26 =	sadd.s32 $0x4000, s13  }
0xb: {  	s10 =	sadd.s32 $0x8000, s13;
	s14 =	sadd.s32 $0xC000, s13;
	s18 =	sadd.s32 $0x10000, s13  }
0xc: {  	s23 =	simm.s32 $0x4900;
	s5 =	sadd.s32 s24, s1;
	s6 =	smax.u32 s6, $0x1  }
0xd: {  	s7 =	sshrl.u32 s25, $0x3;
	s28 =	sadd.s32 s12, s26;
	s8 =	sadd.s32 s26, s1  }
0xe: {  	s11 =	sadd.s32 s12, s10;
	s10 =	sadd.s32 s10, s1;
	s17 =	sadd.s32 s12, s14  }
0xf: {  	s30 =	sadd.s32 s12, s18;
	s12 =	sadd.s32 s14, s1;
	s14 =	sadd.s32 s18, s1  }
0x10: {  	s31 =	sadd.s32 s19, s16;
	s18 =	simm.s32 $0x4100;
	s19 =	simm.s32 $0x2  }
0x11: {  	s24 =	simm.s32 $0x0;
	s7 =	sadd.s32 s15, s7;
	s9 =	sshrl.u32 s28, $0x3  }
0x12: {  	s11 =	sshrl.u32 s11, $0x3;
	s29 =	sshrl.u32 s17, $0x3;
	s17 =	sshrl.u32 s30, $0x3  }
0x13: {  	s16 =	sadd.s32 $0x3000, s31;
	s9 =	sadd.s32 s15, s9;
	s11 =	sadd.s32 s15, s11  }
0x14: {  	v0 =	vimm.f32 $0.0e+00;
	s13 =	sadd.s32 s15, s29;
	s15 =	sadd.s32 s15, s17;
	s17 =	sadd.s32 $0x5CE00, s31  }
.LBB2_1:
0x15: {  	s25 =	simm.s32 $0x0;
	s26 =	simm.s32 $0x0  }
.LBB2_2:
0x16: {  	p0 =	sne.s32 s26, $0x1FC0  }
.Ltmp0:
0x17: {  	_ = 	snop;
	(pc) =	sbr.rel @p0 .LBB2_2-.Ltmp0, $4  }
0x18: {  	s28 =	sand.u32 $0x1E00, s26  }
0x19: {  	s29 =	sand.u32 $0x70, s25;
	s28 =	sshrl.u32 s28, $0x2  }
0x1a: {  	s28 =	sor.u32 s29, s28  }
0x1b: {  	s25 =	sadd.s32 $0x10, s25;
	s26 =	sadd.s32 $0x40, s26;
	[tilespmem:s28+$0x4100] =	vst v0  }
0x1c: {  	s25 =	sadd.s32 $0x0, s5  }
0x1d: {  	[spmem:s25] =	stream.linear.scatter [tilespmem:s18], [sflag:$0x2], $0x800, $0x38;
	[tilespmem:$0x1C900] =	vst v63  }
0x1e: {  	s25 =	simm.s32 $0x2000;
	_ =	swait.ge [sflag:s19], $0x800  }
.LBB2_4:
0x1f: {  	s26 =	sshra.s32 s25, $0x2;
	[sflag:s19] =	ssyncset.done $0x0;
	p0 =	sne.s32 s25, $0x4E000  }
.Ltmp1:
0x20: {  	s26 =	sadd.s32 s26, s5;
	[sflag:s19] =	ssyncadd.s32 $0xFFFFF800;
	(pc) =	sbr.rel @p0 .LBB2_4-.Ltmp1, $3  }
0x21: {  	[spmem:s26] =	stream.linear.scatter [tilespmem:s18], [sflag:$0x2], $0x800, $0x38;
	[tilespmem:$0x1C900] =	vst v63  }
0x22: {  	s25 =	sadd.s32 $0x2000, s25;
	_ =	sdelay $0x1  }
0x23: {  	_ =	swait.ge [sflag:s19], $0x800  }
0x24: {  	[sflag:s19] =	ssyncset.done $0x0  }
0x25: {  	[sflag:s19] =	ssyncadd.s32 $0xFFFFF800  }
0x26: {  	s25 =	sadd.s32 $0x0, s17;
	[bflag:$0x0] =	sbarrier.arrive $0xFFFF  }
0x27: {  	[tilespmem:s2], [sflag:$0x2] =	stream.linear.gather [hbm4b:s25+s2], $0x80, $0x38;
	[tilespmem:$0x1C900] =	vst v63  }
0x28: {  	_ =	swait.ge [sflag:s19], $0x80  }
0x29: {  	[sflag:s19] =	ssyncset.done $0x0  }
0x2a: {  	s31 =	sadd.s32 $0x0, s16;
	[sflag:s19] =	ssyncadd.s32 $0xFFFFFF80  }
0x2b: {  	[tilespmem:s20], [sflag:$0x2] =	stream.linear.gather [hbm4b:s31+s2], $0x80, $0x38;
	[tilespmem:$0x1C900] =	vst v63  }
0x2c: {  	_ =	swait.ge [sflag:s19], $0x80  }
0x2d: {  	[sflag:s19] =	ssyncset.done $0x0  }
0x2e: {  	[sflag:s19] =	ssyncadd.s32 $0xFFFFFF80  }
0x2f: {  	[tilespmem:s21], [sflag:$0x1] =	stream.indirect.gather [hbm4b:s4+s20], $0x80, s2, s20, $0xb8;
	[tilespmem:$0x1C900] =	vst v63  }
0x30: {  	_ =	swait.ge [sflag:s22], $0x4000  }
0x31: {  	[sflag:s22] =	ssyncset.done $0x0  }
0x32: {  	[sflag:s22] =	ssyncadd.s32 $0xFFFFC000  }
0x33: {  	[spmem:s1] =	stream.indirect.scatter.add.f32 [tilespmem:s21], [sflag:$0x2], $0x80, s20, s20, $0xb8;
	[tilespmem:$0x1C900] =	vst v63  }
0x34: {  	_ =	swait.ge [sflag:s19], $0x4000  }
0x35: {  	s26 =	simm.s32 $0x20;
	s25 =	simm.s32 $0x10;
	[sflag:s19] =	ssyncset.done $0x0  }
.LBB2_6:
0x36: {  	s28 =	sadd.s32 s25, s17  }
0x37: {  	[sflag:s19] =	ssyncadd.s32 $0xFFFFC000;
	s29 =	smov.u32 s26;
	s30 =	sadd.s32 $0x10, s26  }
0x38: {  	[tilespmem:s2], [sflag:$0x2] =	stream.linear.gather [hbm4b:s28+s2], $0x80, $0x38;
	[tilespmem:$0x1C900] =	vst v63  }
0x39: {  	p0 =	sne.s32 s26, $0x4E0;
	_ =	swait.ge [sflag:s19], $0x80  }
0x3a: {  	[sflag:s19] =	ssyncset.done $0x0  }
0x3b: {  	s26 =	sadd.s32 s25, s16;
	s25 =	smov.u32 s29;
	[sflag:s19] =	ssyncadd.s32 $0xFFFFFF80  }
0x3c: {  	[tilespmem:s20], [sflag:$0x2] =	stream.linear.gather [hbm4b:s26+s2], $0x80, $0x38;
	[tilespmem:$0x1C900] =	vst v63  }
0x3d: {  	_ =	swait.ge [sflag:s19], $0x80  }
0x3e: {  	[sflag:s19] =	ssyncset.done $0x0  }
0x3f: {  	[sflag:s19] =	ssyncadd.s32 $0xFFFFFF80  }
0x40: {  	[tilespmem:s21], [sflag:$0x1] =	stream.indirect.gather [hbm4b:s4+s20], $0x80, s2, s20, $0xb8;
	[tilespmem:$0x1C900] =	vst v63  }
0x41: {  	_ =	swait.ge [sflag:s22], $0x4000  }
.Ltmp2:
0x42: {  	[sflag:s22] =	ssyncset.done $0x0;
	(pc) =	sbr.rel @p0 .LBB2_6-.Ltmp2, $4  }
0x43: {  	[sflag:s22] =	ssyncadd.s32 $0xFFFFC000  }
0x44: {  	[spmem:s1] =	stream.indirect.scatter.add.f32 [tilespmem:s21], [sflag:$0x2], $0x80, s20, s20, $0xb8;
	[tilespmem:$0x1C900] =	vst v63  }
0x45: {  	_ =	swait.ge [sflag:s19], $0x4000  }
0x46: {  	s26 =	smov.u32 s30;
	[sflag:s19] =	ssyncset.done $0x0  }
0x47: {  	s26 =	sadd.s32 s25, s17;
	[sflag:s19] =	ssyncadd.s32 $0xFFFFC000  }
0x48: {  	[tilespmem:s2], [sflag:$0x2] =	stream.linear.gather [hbm4b:s26+s2], $0x80, $0x38;
	[tilespmem:$0x1C900] =	vst v63  }
0x49: {  	_ =	swait.ge [sflag:s19], $0x80  }
0x4a: {  	[sflag:s19] =	ssyncset.done $0x0  }
0x4b: {  	s31 =	sadd.s32 s25, s16;
	[sflag:s19] =	ssyncadd.s32 $0xFFFFFF80  }
0x4c: {  	[tilespmem:s20], [sflag:$0x2] =	stream.linear.gather [hbm4b:s31+s2], $0x80, $0x38;
	[tilespmem:$0x1C900] =	vst v63  }
0x4d: {  	_ =	swait.ge [sflag:s19], $0x80  }
0x4e: {  	[sflag:s19] =	ssyncset.done $0x0  }
0x4f: {  	[sflag:s19] =	ssyncadd.s32 $0xFFFFFF80  }
0x50: {  	[tilespmem:s21], [sflag:$0x1] =	stream.indirect.gather [hbm4b:s4+s20], $0x80, s2, s20, $0xb8;
	[tilespmem:$0x1C900] =	vst v63  }
0x51: {  	_ =	swait.ge [sflag:s22], $0x4000  }
0x52: {  	[sflag:s22] =	ssyncset.done $0x0  }
0x53: {  	[sflag:s22] =	ssyncadd.s32 $0xFFFFC000  }
0x54: {  	[spmem:s1] =	stream.indirect.scatter.add.f32 [tilespmem:s21], [sflag:$0x2], $0x80, s20, s20, $0xb8;
	[tilespmem:$0x1C900] =	vst v63  }
0x55: {  	_ =	swait.ge [sflag:s19], $0x4000  }
0x56: {  	[sflag:s19] =	ssyncset.done $0x0  }
0x57: {  	[sflag:s19] =	ssyncadd.s32 $0xFFFFC000  }
0x58: {  	[bflag:$0x0] =	sbarrier.arrive $0xFFFF  }
0x59: {  	[tilespmem:s23], [sflag:$0x2] =	stream.linear.gather [spmem:s5], $0x4000, $0x38;
	[tilespmem:$0x1C900] =	vst v63  }
0x5a: {  	_ =	swait.ge [sflag:s19], $0x4000  }
0x5b: {  	[sflag:s19] =	ssyncset.done $0x0  }
0x5c: {  	[sflag:s19] =	ssyncadd.s32 $0xFFFFC000  }
0x5d: {  	[hbm4b:s7+s2] =	stream.linear.scatter [tilespmem:s23], [sflag:$0x2], $0x4000, $0x38;
	[tilespmem:$0x1C900] =	vst v63  }
0x5e: {  	_ =	swait.ge [sflag:s19], $0x4000  }
0x5f: {  	[sflag:s19] =	ssyncset.done $0x0  }
0x60: {  	[sflag:s19] =	ssyncadd.s32 $0xFFFFC000  }
0x61: {  	[tilespmem:s23], [sflag:$0x2] =	stream.linear.gather [spmem:s8], $0x4000, $0x38;
	[tilespmem:$0x1C900] =	vst v63  }
0x62: {  	_ =	swait.ge [sflag:s19], $0x4000  }
0x63: {  	[sflag:s19] =	ssyncset.done $0x0  }
0x64: {  	[sflag:s19] =	ssyncadd.s32 $0xFFFFC000  }
0x65: {  	[hbm4b:s9+s2] =	stream.linear.scatter [tilespmem:s23], [sflag:$0x2], $0x4000, $0x38;
	[tilespmem:$0x1C900] =	vst v63  }
0x66: {  	_ =	swait.ge [sflag:s19], $0x4000  }
0x67: {  	[sflag:s19] =	ssyncset.done $0x0  }
0x68: {  	[sflag:s19] =	ssyncadd.s32 $0xFFFFC000  }
0x69: {  	[tilespmem:s23], [sflag:$0x2] =	stream.linear.gather [spmem:s10], $0x4000, $0x38;
	[tilespmem:$0x1C900] =	vst v63  }
0x6a: {  	_ =	swait.ge [sflag:s19], $0x4000  }
0x6b: {  	[sflag:s19] =	ssyncset.done $0x0  }
0x6c: {  	[sflag:s19] =	ssyncadd.s32 $0xFFFFC000  }
0x6d: {  	[hbm4b:s11+s2] =	stream.linear.scatter [tilespmem:s23], [sflag:$0x2], $0x4000, $0x38;
	[tilespmem:$0x1C900] =	vst v63  }
0x6e: {  	_ =	swait.ge [sflag:s19], $0x4000  }
0x6f: {  	[sflag:s19] =	ssyncset.done $0x0  }
0x70: {  	[sflag:s19] =	ssyncadd.s32 $0xFFFFC000  }
0x71: {  	[tilespmem:s23], [sflag:$0x2] =	stream.linear.gather [spmem:s12], $0x4000, $0x38;
	[tilespmem:$0x1C900] =	vst v63  }
0x72: {  	_ =	swait.ge [sflag:s19], $0x4000  }
0x73: {  	[sflag:s19] =	ssyncset.done $0x0  }
0x74: {  	[sflag:s19] =	ssyncadd.s32 $0xFFFFC000  }
0x75: {  	[hbm4b:s13+s2] =	stream.linear.scatter [tilespmem:s23], [sflag:$0x2], $0x4000, $0x38;
	[tilespmem:$0x1C900] =	vst v63  }
0x76: {  	_ =	swait.ge [sflag:s19], $0x4000  }
0x77: {  	[sflag:s19] =	ssyncset.done $0x0  }
0x78: {  	[sflag:s19] =	ssyncadd.s32 $0xFFFFC000  }
0x79: {  	[tilespmem:s23], [sflag:$0x2] =	stream.linear.gather [spmem:s14], $0x4000, $0x38;
	[tilespmem:$0x1C900] =	vst v63  }
0x7a: {  	s24 =	sadd.s32 $0x1, s24;
	_ =	swait.ge [sflag:s19], $0x4000  }
0x7b: {  	p0 =	sne.s32 s24, s6;
	[sflag:s19] =	ssyncset.done $0x0  }
.Ltmp3:
0x7c: {  	[sflag:s19] =	ssyncadd.s32 $0xFFFFC000;
	(pc) =	sbr.rel @p0 .LBB2_1-.Ltmp3, $4  }
0x7d: {  	[hbm4b:s15+s2] =	stream.linear.scatter [tilespmem:s23], [sflag:$0x2], $0x4000, $0x38;
	[tilespmem:$0x1C900] =	vst v63  }
0x7e: {  	_ =	swait.ge [sflag:s19], $0x4000  }
0x7f: {  	[sflag:s19] =	ssyncset.done $0x0  }
0x80: {  	[sflag:s19] =	ssyncadd.s32 $0xFFFFC000  }
0x81: {  	_ =	sfence.sel $0x180000  }
0x82: {  	[bflag:$0x0] =	sbarrier.arrive $0xFFFF  }
0x83: {  	p0 =	sne.s32 s3, $0x0;
	_ =	strace $0x90000050  }
0x84: {  	s0 =	sadd.s32 @!p0 $0x100000, s0;
	[bflag:$0x2] =	sbarrier.arrive $0xFFFF  }
0x85: {  	[sflag:s0] =	ssyncadd.tile.s32 @!p0 $0x1;
	_ =	shalt  }
.Lfunc_end2:
_tile_overlayer_lowered:
.L_overlay_start_2:
0x86: {  	(tag) =	ssettag $0x2  }
0x87: {  	s0 =	rddreg [dreg:$0x0];
	s2 =	stileid.u32  }
0x88: {  	s1 =	rddreg [dreg:$0x1];
	p0 =	sne.s32 s2, $0x0  }
0x89: {  	s3 =	rddreg [dreg:$0x2];
	[bflag:$0x3] =	sbarrier.arrive $0xFFFF;
	s2 =	simm.s32 @!p0 $0x1C02  }
0x8a: {  	[timem:s3], [sflag:s2] =	dma.local @!p0 [hbm:s0], s1  }
0x8b: {  	s0 =	simm.s32 @!p0 $0x2  }
0x8c: {  	_ =	swait.ge @!p0 [sflag:s0], s1  }
0x8d: {  	s1 =	ssub.s32 @!p0 $0x0, s1;
	[sflag:s0] =	ssyncset.done @!p0 $0x0  }
0x8e: {  	[sflag:s0] =	ssyncadd.s32 @!p0 s1  }
0x8f: {  	[bflag:$0x3] =	sbarrier.arrive $0xFFFF  }
0x90: {  	_ =	shalt  }

</sc_bundles>
